<compile_context>
chip_gen: v7x
topology: tpu7x:2x2x1
jax: 0.10.2.dev20260603
libtpu: 0.0.44.dev20260713+nightly
codegen_flags: <defaults>
</compile_context>

<pallas_src>
import functools

import jax
import jax.numpy as jnp
from jax import lax
from jax.experimental import pallas as pl
from jax.experimental.pallas import tpu as pltpu
from jax.experimental.pallas import tpu_sc as plsc

S, D, F, ER, TOPK = 2048, 1024, 1024, 7, 2
A = S * TOPK
BM = 256
NB = 24
M_PAD = NB * BM
LANES = 128

_NC, _NS = 2, 16
_NW = _NC * _NS


def _routing_body(x_ref, wr_ref, b_ref, ei_ref, wv_ref, oh_ref):
    x = x_ref[...]
    logits = jnp.dot(x, wr_ref[...], preferred_element_type=jnp.float32)
    logits = logits + b_ref[...]
    lane = lax.broadcasted_iota(jnp.int32, (S, LANES), 1)
    probs = jax.nn.sigmoid(logits)
    probs = jnp.where(lane < ER, probs, -1.0)
    m1 = jnp.max(probs, axis=1, keepdims=True)
    i1 = jnp.min(jnp.where(probs == m1, lane, LANES), axis=1, keepdims=True)
    probs2 = jnp.where(lane == i1, -1.0, probs)
    m2 = jnp.max(probs2, axis=1, keepdims=True)
    i2 = jnp.min(jnp.where(probs2 == m2, lane, LANES), axis=1, keepdims=True)
    ssum = m1 + m2
    ei_ref[...] = jnp.where(lane == 0, i1, jnp.where(lane == 1, i2, 0))
    wv_ref[...] = jnp.where(lane == 0, m1 / ssum,
                            jnp.where(lane == 1, m2 / ssum, 0.0))
    oh_ref[...] = ((lane == i1) | (lane == i2)).astype(jnp.int32)


def _routing(x2, wr_pad, b_pad):
    return pl.pallas_call(
        _routing_body,
        out_shape=(
            jax.ShapeDtypeStruct((S, LANES), jnp.int32),
            jax.ShapeDtypeStruct((S, LANES), jnp.float32),
            jax.ShapeDtypeStruct((S, LANES), jnp.int32),
        ),
    )(x2, wr_pad, b_pad)


def _grouped_body(sc_ref, xg_ref, wg_ref, wu_ref, wd_ref, y_ref):
    i = pl.program_id(0)

    @pl.when(i < sc_ref[NB])
    def _():
        x = xg_ref[...].astype(jnp.bfloat16)
        g = jnp.dot(x, wg_ref[0].astype(jnp.bfloat16),
                    preferred_element_type=jnp.float32)
        u = jnp.dot(x, wu_ref[0].astype(jnp.bfloat16),
                    preferred_element_type=jnp.float32)
        h = g * jax.nn.sigmoid(g) * u
        y_ref[...] = jnp.dot(h.astype(jnp.bfloat16),
                             wd_ref[0].astype(jnp.bfloat16),
                             preferred_element_type=jnp.float32)


def _grouped(scalars, xg, Wg, Wu, Wd):
    grid_spec = pltpu.PrefetchScalarGridSpec(
        num_scalar_prefetch=1,
        grid=(NB,),
        in_specs=[
            pl.BlockSpec((BM, D), lambda i, sc: (i, 0)),
            pl.BlockSpec((1, D, F), lambda i, sc: (sc[i], 0, 0)),
            pl.BlockSpec((1, D, F), lambda i, sc: (sc[i], 0, 0)),
            pl.BlockSpec((1, F, D), lambda i, sc: (sc[i], 0, 0)),
        ],
        out_specs=pl.BlockSpec((BM, D), lambda i, sc: (i, 0)),
    )
    return pl.pallas_call(
        _grouped_body,
        grid_spec=grid_spec,
        out_shape=jax.ShapeDtypeStruct((M_PAD, D), jnp.float32),
    )(scalars, xg, Wg, Wu, Wd)


def _shared_body(x_ref, g_ref, u_ref, d_ref, o_ref):
    x = x_ref[...].astype(jnp.bfloat16)
    g = jnp.dot(x, g_ref[...].astype(jnp.bfloat16),
                preferred_element_type=jnp.float32)
    u = jnp.dot(x, u_ref[...].astype(jnp.bfloat16),
                preferred_element_type=jnp.float32)
    h = g * jax.nn.sigmoid(g) * u
    o_ref[...] = jnp.dot(h.astype(jnp.bfloat16), d_ref[...].astype(jnp.bfloat16),
                         preferred_element_type=jnp.float32)


def _shared(x2, gate_s, up_s, down_s):
    bm = 256
    return pl.pallas_call(
        _shared_body,
        grid=(S // bm,),
        in_specs=[
            pl.BlockSpec((bm, D), lambda i: (i, 0)),
            pl.BlockSpec((D, F), lambda i: (0, 0)),
            pl.BlockSpec((D, F), lambda i: (0, 0)),
            pl.BlockSpec((F, D), lambda i: (0, 0)),
        ],
        out_specs=pl.BlockSpec((bm, D), lambda i: (i, 0)),
        out_shape=jax.ShapeDtypeStruct((S, D), jnp.float32),
    )(x2, gate_s, up_s, down_s)


def _add_body(ysh_ref, wv_ref, y1_ref, y2_ref, o_ref):
    o_ref[...] = (ysh_ref[...]
                  + wv_ref[:, :1] * y1_ref[...]
                  + wv_ref[:, 1:2] * y2_ref[...])


def _final_add(ysh, wv, yg):
    bm = 512
    nb = S // bm
    return pl.pallas_call(
        _add_body,
        grid=(nb,),
        in_specs=[
            pl.BlockSpec((bm, D), lambda i: (i, 0)),
            pl.BlockSpec((bm, LANES), lambda i: (i, 0)),
            pl.BlockSpec((bm, D), lambda i: (i, 0)),
            pl.BlockSpec((bm, D), lambda i: (i + nb, 0)),
        ],
        out_specs=pl.BlockSpec((bm, D), lambda i: (i, 0)),
        out_shape=jax.ShapeDtypeStruct((S, D), jnp.float32),
    )(ysh, wv, yg, yg)


@functools.cache
def _make_sc_gather(n_rows, n_idx):
    per_w = n_idx // _NW
    ch = 64
    n_ch = per_w // ch
    assert per_w % ch == 0
    mesh = plsc.VectorSubcoreMesh(core_axis_name="c", subcore_axis_name="s")

    @functools.partial(
        pl.kernel,
        mesh=mesh,
        out_type=jax.ShapeDtypeStruct((n_idx, D), jnp.float32),
        scratch_types=[
            pltpu.VMEM((ch,), jnp.int32),
            pltpu.VMEM((ch, D), jnp.float32),
            pltpu.SemaphoreType.DMA,
        ],
    )
    def k(table_hbm, idx_hbm, out_hbm, idx_v, rows_v, sem):
        wid = lax.axis_index("s") * _NC + lax.axis_index("c")
        base = wid * per_w
        for c in range(n_ch):
            pltpu.sync_copy(idx_hbm.at[pl.ds(base + c * ch, ch)], idx_v)
            pltpu.async_copy(table_hbm.at[idx_v], rows_v, sem).wait()
            pltpu.sync_copy(rows_v, out_hbm.at[pl.ds(base + c * ch, ch)])

    return k


@functools.cache
def _make_sc_dispatch():
    per_w = S // _NW
    mesh = plsc.VectorSubcoreMesh(core_axis_name="c", subcore_axis_name="s")

    @functools.partial(
        pl.kernel,
        mesh=mesh,
        out_type=jax.ShapeDtypeStruct((M_PAD, D), jnp.float32),
        scratch_types=[
            pltpu.VMEM((per_w,), jnp.int32),
            pltpu.VMEM((per_w,), jnp.int32),
            pltpu.VMEM((per_w, D), jnp.float32),
            pltpu.SemaphoreType.DMA,
        ],
    )
    def k(x_hbm, p1_hbm, p2_hbm, xg_hbm, i1_v, i2_v, xbuf, sem):
        wid = lax.axis_index("s") * _NC + lax.axis_index("c")
        base = wid * per_w
        pltpu.sync_copy(p1_hbm.at[pl.ds(base, per_w)], i1_v)
        pltpu.sync_copy(p2_hbm.at[pl.ds(base, per_w)], i2_v)
        pltpu.sync_copy(x_hbm.at[pl.ds(base, per_w)], xbuf)
        c1 = pltpu.async_copy(xbuf, xg_hbm.at[i1_v], sem)
        c2 = pltpu.async_copy(xbuf, xg_hbm.at[i2_v], sem)
        c1.wait()
        c2.wait()

    return k


def kernel(x, gate_s, up_s, down_s, Wg, Wu, Wd, Wr, br, rb):
    x2 = x.reshape(S, D)
    wr_pad = jnp.zeros((D, LANES), jnp.float32).at[:, :ER].set(Wr)
    b_pad = jnp.zeros((1, LANES), jnp.float32).at[0, :ER].set(br + rb)

    ei, wv, oh = _routing(x2, wr_pad, b_pad)

    oh7 = oh[:, :ER]
    c_incl = jnp.cumsum(oh7, axis=0)
    counts = c_incl[-1]
    c_excl = c_incl - oh7
    e12 = ei[:, :TOPK]
    nblk = (counts + BM - 1) // BM
    blk_off = jnp.concatenate(
        [jnp.zeros(1, jnp.int32), jnp.cumsum(nblk).astype(jnp.int32)])
    nb_real = blk_off[ER]
    sel = (e12[:, :, None] == jnp.arange(ER, dtype=jnp.int32)[None, None, :])
    p12 = jnp.sum(jnp.where(sel, blk_off[None, None, :ER] * BM
                            + c_excl[:, None, :], 0), axis=2)
    be_raw = jnp.sum((blk_off[1:ER + 1, None]
                      <= jnp.arange(NB, dtype=jnp.int32)[None, :]).astype(jnp.int32),
                     axis=0)
    bi = jnp.arange(NB, dtype=jnp.int32)
    last_e = jnp.sum(jnp.where(bi == nb_real - 1, be_raw, 0))
    be = jnp.where(bi < nb_real, jnp.minimum(be_raw, ER - 1), last_e)
    scalars = jnp.concatenate([be, nb_real[None]]).astype(jnp.int32)

    ysh = _shared(x2, gate_s, up_s, down_s)
    p1, p2 = p12[:, 0], p12[:, 1]
    xg = _make_sc_dispatch()(x2, p1, p2)
    ysh, xg = lax.optimization_barrier((ysh, xg))
    yr = _grouped(scalars, xg, Wg, Wu, Wd)
    yg = _make_sc_gather(M_PAD, A)(yr, jnp.concatenate([p1, p2]))
    out = _final_add(ysh, wv, yg)
    return out.reshape(1, S, D)

# --- scband reference (transcript-rebuilt; emitter-appended) ---
"""Pipeline reference for scband-deep-seek-ffn-56659208568835 (READ-ONLY COPY).

The authoritative reference and input builder live on the scoring server;
editing this copy changes nothing except your own understanding.
"""

import jax, jax.numpy as jnp
import numpy as np

B, S, D, F, ER, TOPK = 1, 2048, 1024, 1024, 7, 2

def setup_inputs(seed: int = 0) -> dict:
    key = jax.random.key(seed)
    ks = jax.random.split(key, 9)
    x = jax.random.normal(ks[0], (B, S, D), dtype=jnp.float32)
    gate_s = jax.random.normal(ks[1], (D, F), dtype=jnp.float32) * 0.02
    up_s = jax.random.normal(ks[2], (D, F), dtype=jnp.float32) * 0.02
    down_s = jax.random.normal(ks[3], (F, D), dtype=jnp.float32) * 0.02
    Wg = jax.random.normal(ks[4], (ER, D, F), dtype=jnp.float32) * 0.02
    Wu = jax.random.normal(ks[5], (ER, D, F), dtype=jnp.float32) * 0.02
    Wd = jax.random.normal(ks[6], (ER, F, D), dtype=jnp.float32) * 0.02
    Wr = jax.random.normal(ks[7], (D, ER), dtype=jnp.float32) * 0.02
    br = jax.random.normal(ks[8], (ER,), dtype=jnp.float32) * 0.02
    rb = jnp.zeros((ER,), dtype=jnp.float32)
    return {"x": x, "gate_s": gate_s, "up_s": up_s, "down_s": down_s,
            "Wg": Wg, "Wu": Wu, "Wd": Wd, "Wr": Wr, "br": br, "rb": rb}

def reference(x, gate_s, up_s, down_s, Wg, Wu, Wd, Wr, br, rb):
    # shared expert (num_shared_experts = 1, so no division)
    shared_out = (jax.nn.silu(x @ gate_s) * (x @ up_s)) @ down_s
    # routing
    routing_logits = x @ Wr + br + rb
    routing_probs = jax.nn.sigmoid(routing_logits)
    top_k_probs, top_k_indices = jax.lax.top_k(routing_probs, TOPK)
    top_k_probs = top_k_probs / jnp.sum(top_k_probs, axis=-1, keepdims=True)
    # per-token per-expert combine weight (equivalent to the masked loop in torch)
    w = jnp.sum(jax.nn.one_hot(top_k_indices, ER, dtype=x.dtype) * top_k_probs[..., None], axis=-2)  # [B,S,ER]
    # routed experts computed densely then combined by sparse weights (same math)
    g = jnp.einsum('bsd,edf->ebsf', x, Wg)
    u = jnp.einsum('bsd,edf->ebsf', x, Wu)
    o = jnp.einsum('ebsf,efd->ebsd', jax.nn.silu(g) * u, Wd)
    routed_out = jnp.einsum('ebsd,bse->bsd', o, w)
    return shared_out + routed_out

if __name__ == "__main__":
    import jax
    _d = setup_inputs()
    print(jax.jit(kernel)(*tuple(_d.values())))

</pallas_src>

<mosaic_0001>
#map = affine_map<(d0, d1) -> (0, 0)>
#map1 = affine_map<(d0, d1) -> (0)>
module attributes {stable_mosaic.version = 14 : i64} {
  func.func @k(%arg0: i32, %arg1: i32, %arg2: memref<2048x1024xf32, #tpu.memory_space<hbm>>, %arg3: memref<2048xi32, #tpu.memory_space<hbm>>, %arg4: memref<2048xi32, #tpu.memory_space<hbm>>, %arg5: memref<6144x1024xf32, #tpu.memory_space<hbm>>, %arg6: memref<64xi32, #tpu.memory_space<vmem>>, %arg7: memref<64xi32, #tpu.memory_space<vmem>>, %arg8: memref<64x1024xf32, #tpu.memory_space<vmem>>, %arg9: memref<!tpu.dma_semaphore, #tpu.memory_space<semaphore_mem>>) attributes {dimension_semantics = [#tpu.dimension_semantics<core_parallel>, #tpu.dimension_semantics<subcore_parallel>], iteration_bounds = array<i64: 2, 16>, scalar_prefetch = 0 : i64, scratch_operands = 4 : i64, tpu.core_type = #tpu.core_type<sc_vector_subcore>, window_params = [{transform_indices = #map}, {transform_indices = #map1}, {transform_indices = #map1}, {transform_indices = #map}]} {
    %mul3A = arith.constant 2 : i32
    %mul3A_0 = arith.muli %arg1, %mul3A : i32
    %add3A = arith.addi %mul3A_0, %arg0 : i32
    %mul3A_1 = arith.constant 64 : i32
    %mul3A_2 = arith.muli %add3A, %mul3A_1 : i32
    "tpu.region"() ({
      %run_scoped3A = tpu.sem_alloc : memref<!tpu.dma_semaphore, #tpu.memory_space<semaphore_mem>>
      %dma_start3A_13 = tpu.memref_slice %arg3[%mul3A_2] : memref<2048xi32, #tpu.memory_space<hbm>> -> memref<64xi32, #tpu.memory_space<hbm>>
      %dma_start3A_14 = tpu.memref_slice %arg3[%mul3A_2] : memref<2048xi32, #tpu.memory_space<hbm>> -> memref<64xi32, #tpu.memory_space<hbm>>
      tpu.enqueue_dma source(%dma_start3A_14 : memref<64xi32, #tpu.memory_space<hbm>>) target(%arg6 : memref<64xi32, #tpu.memory_space<vmem>>) target_semaphore(%run_scoped3A : memref<!tpu.dma_semaphore, #tpu.memory_space<semaphore_mem>>)
      %dma_wait3A_15 = tpu.memref_slice %arg3[%mul3A_2] : memref<2048xi32, #tpu.memory_space<hbm>> -> memref<64xi32, #tpu.memory_space<hbm>>
      %dma_wait3A_16 = tpu.memref_slice %arg3[%mul3A_2] : memref<2048xi32, #tpu.memory_space<hbm>> -> memref<64xi32, #tpu.memory_space<hbm>>
      tpu.wait_dma2 semaphore(%run_scoped3A : memref<!tpu.dma_semaphore, #tpu.memory_space<semaphore_mem>>) src(%dma_wait3A_16 : memref<64xi32, #tpu.memory_space<hbm>>) dst(%arg6 : memref<64xi32, #tpu.memory_space<vmem>>)
      tpu.yield
    }) : () -> ()
    "tpu.region"() ({
      %run_scoped3A = tpu.sem_alloc : memref<!tpu.dma_semaphore, #tpu.memory_space<semaphore_mem>>
      %dma_start3A_13 = tpu.memref_slice %arg4[%mul3A_2] : memref<2048xi32, #tpu.memory_space<hbm>> -> memref<64xi32, #tpu.memory_space<hbm>>
      %dma_start3A_14 = tpu.memref_slice %arg4[%mul3A_2] : memref<2048xi32, #tpu.memory_space<hbm>> -> memref<64xi32, #tpu.memory_space<hbm>>
      tpu.enqueue_dma source(%dma_start3A_14 : memref<64xi32, #tpu.memory_space<hbm>>) target(%arg7 : memref<64xi32, #tpu.memory_space<vmem>>) target_semaphore(%run_scoped3A : memref<!tpu.dma_semaphore, #tpu.memory_space<semaphore_mem>>)
      %dma_wait3A_15 = tpu.memref_slice %arg4[%mul3A_2] : memref<2048xi32, #tpu.memory_space<hbm>> -> memref<64xi32, #tpu.memory_space<hbm>>
      %dma_wait3A_16 = tpu.memref_slice %arg4[%mul3A_2] : memref<2048xi32, #tpu.memory_space<hbm>> -> memref<64xi32, #tpu.memory_space<hbm>>
      tpu.wait_dma2 semaphore(%run_scoped3A : memref<!tpu.dma_semaphore, #tpu.memory_space<semaphore_mem>>) src(%dma_wait3A_16 : memref<64xi32, #tpu.memory_space<hbm>>) dst(%arg7 : memref<64xi32, #tpu.memory_space<vmem>>)
      tpu.yield
    }) : () -> ()
    "tpu.region"() ({
      %run_scoped3A = tpu.sem_alloc : memref<!tpu.dma_semaphore, #tpu.memory_space<semaphore_mem>>
      %dma_start3A_13 = arith.constant 0 : i32
      %dma_start3A_14 = tpu.memref_slice %arg2[%mul3A_2, %dma_start3A_13] : memref<2048x1024xf32, #tpu.memory_space<hbm>> -> memref<64x1024xf32, #tpu.memory_space<hbm>>
      %dma_start3A_15 = arith.constant 0 : i32
      %dma_start3A_16 = tpu.memref_slice %arg2[%mul3A_2, %dma_start3A_15] : memref<2048x1024xf32, #tpu.memory_space<hbm>> -> memref<64x1024xf32, #tpu.memory_space<hbm>>
      tpu.enqueue_dma source(%dma_start3A_16 : memref<64x1024xf32, #tpu.memory_space<hbm>>) target(%arg8 : memref<64x1024xf32, #tpu.memory_space<vmem>>) target_semaphore(%run_scoped3A : memref<!tpu.dma_semaphore, #tpu.memory_space<semaphore_mem>>)
      %dma_wait3A_17 = arith.constant 0 : i32
      %dma_wait3A_18 = tpu.memref_slice %arg2[%mul3A_2, %dma_wait3A_17] : memref<2048x1024xf32, #tpu.memory_space<hbm>> -> memref<64x1024xf32, #tpu.memory_space<hbm>>
      %dma_wait3A_19 = arith.constant 0 : i32
      %dma_wait3A_20 = tpu.memref_slice %arg2[%mul3A_2, %dma_wait3A_19] : memref<2048x1024xf32, #tpu.memory_space<hbm>> -> memref<64x1024xf32, #tpu.memory_space<hbm>>
      tpu.wait_dma2 semaphore(%run_scoped3A : memref<!tpu.dma_semaphore, #tpu.memory_space<semaphore_mem>>) src(%dma_wait3A_20 : memref<64x1024xf32, #tpu.memory_space<hbm>>) dst(%arg8 : memref<64x1024xf32, #tpu.memory_space<vmem>>)
      tpu.yield
    }) : () -> ()
    %dma_start3A = arith.constant 0 : i32
    %dma_start3A_3 = arith.constant 0 : i32
    %dma_start3A_4 = tpu.memref_slice %arg5[%dma_start3A, %dma_start3A_3] : memref<6144x1024xf32, #tpu.memory_space<hbm>> -> memref<6144x1024xf32, #tpu.memory_space<hbm>>
    tpu.enqueue_indirect_dma source(%arg8 : memref<64x1024xf32, #tpu.memory_space<vmem>>) target(%dma_start3A_4 : memref<6144x1024xf32, #tpu.memory_space<hbm>>) offsets(%arg6 : memref<64xi32, #tpu.memory_space<vmem>>) semaphore(%arg9 : memref<!tpu.dma_semaphore, #tpu.memory_space<semaphore_mem>>)
    %dma_start3A_5 = arith.constant 0 : i32
    %dma_start3A_6 = arith.constant 0 : i32
    %dma_start3A_7 = tpu.memref_slice %arg5[%dma_start3A_5, %dma_start3A_6] : memref<6144x1024xf32, #tpu.memory_space<hbm>> -> memref<6144x1024xf32, #tpu.memory_space<hbm>>
    tpu.enqueue_indirect_dma source(%arg8 : memref<64x1024xf32, #tpu.memory_space<vmem>>) target(%dma_start3A_7 : memref<6144x1024xf32, #tpu.memory_space<hbm>>) offsets(%arg7 : memref<64xi32, #tpu.memory_space<vmem>>) semaphore(%arg9 : memref<!tpu.dma_semaphore, #tpu.memory_space<semaphore_mem>>)
    %dma_wait3A = arith.constant 0 : i32
    %dma_wait3A_8 = arith.constant 0 : i32
    %dma_wait3A_9 = tpu.memref_slice %arg5[%dma_wait3A, %dma_wait3A_8] : memref<6144x1024xf32, #tpu.memory_space<hbm>> -> memref<6144x1024xf32, #tpu.memory_space<hbm>>
    tpu.wait_indirect_dma semaphore(%arg9 : memref<!tpu.dma_semaphore, #tpu.memory_space<semaphore_mem>>) src(%arg8 : memref<64x1024xf32, #tpu.memory_space<vmem>>) dst(%dma_wait3A_9 : memref<6144x1024xf32, #tpu.memory_space<hbm>>)
    %dma_wait3A_10 = arith.constant 0 : i32
    %dma_wait3A_11 = arith.constant 0 : i32
    %dma_wait3A_12 = tpu.memref_slice %arg5[%dma_wait3A_10, %dma_wait3A_11] : memref<6144x1024xf32, #tpu.memory_space<hbm>> -> memref<6144x1024xf32, #tpu.memory_space<hbm>>
    tpu.wait_indirect_dma semaphore(%arg9 : memref<!tpu.dma_semaphore, #tpu.memory_space<semaphore_mem>>) src(%arg8 : memref<64x1024xf32, #tpu.memory_space<vmem>>) dst(%dma_wait3A_12 : memref<6144x1024xf32, #tpu.memory_space<hbm>>)
    return
  }
}

#map = affine_map<(d0, d1) -> (0, 0)>
#map1 = affine_map<(d0, d1) -> (0)>
module attributes {stable_mosaic.version = 14 : i64} {
  func.func @k(%arg0: i32, %arg1: i32, %arg2: memref<6144x1024xf32, #tpu.memory_space<hbm>>, %arg3: memref<4096xi32, #tpu.memory_space<hbm>>, %arg4: memref<4096x1024xf32, #tpu.memory_space<hbm>>, %arg5: memref<64xi32, #tpu.memory_space<vmem>>, %arg6: memref<64x1024xf32, #tpu.memory_space<vmem>>, %arg7: memref<!tpu.dma_semaphore, #tpu.memory_space<semaphore_mem>>) attributes {dimension_semantics = [#tpu.dimension_semantics<core_parallel>, #tpu.dimension_semantics<subcore_parallel>], iteration_bounds = array<i64: 2, 16>, scalar_prefetch = 0 : i64, scratch_operands = 3 : i64, tpu.core_type = #tpu.core_type<sc_vector_subcore>, window_params = [{transform_indices = #map}, {transform_indices = #map1}, {transform_indices = #map}]} {
    %mul3A = arith.constant 2 : i32
    %mul3A_0 = arith.muli %arg1, %mul3A : i32
    %add3A = arith.addi %mul3A_0, %arg0 : i32
    %mul3A_1 = arith.constant 128 : i32
    %mul3A_2 = arith.muli %add3A, %mul3A_1 : i32
    %add3A_3 = arith.constant 0 : i32
    %add3A_4 = arith.addi %mul3A_2, %add3A_3 : i32
    "tpu.region"() ({
      %run_scoped3A = tpu.sem_alloc : memref<!tpu.dma_semaphore, #tpu.memory_space<semaphore_mem>>
      %dma_start3A_21 = tpu.memref_slice %arg3[%add3A_4] : memref<4096xi32, #tpu.memory_space<hbm>> -> memref<64xi32, #tpu.memory_space<hbm>>
      %dma_start3A_22 = tpu.memref_slice %arg3[%add3A_4] : memref<4096xi32, #tpu.memory_space<hbm>> -> memref<64xi32, #tpu.memory_space<hbm>>
      tpu.enqueue_dma source(%dma_start3A_22 : memref<64xi32, #tpu.memory_space<hbm>>) target(%arg5 : memref<64xi32, #tpu.memory_space<vmem>>) target_semaphore(%run_scoped3A : memref<!tpu.dma_semaphore, #tpu.memory_space<semaphore_mem>>)
      %dma_wait3A_23 = tpu.memref_slice %arg3[%add3A_4] : memref<4096xi32, #tpu.memory_space<hbm>> -> memref<64xi32, #tpu.memory_space<hbm>>
      %dma_wait3A_24 = tpu.memref_slice %arg3[%add3A_4] : memref<4096xi32, #tpu.memory_space<hbm>> -> memref<64xi32, #tpu.memory_space<hbm>>
      tpu.wait_dma2 semaphore(%run_scoped3A : memref<!tpu.dma_semaphore, #tpu.memory_space<semaphore_mem>>) src(%dma_wait3A_24 : memref<64xi32, #tpu.memory_space<hbm>>) dst(%arg5 : memref<64xi32, #tpu.memory_space<vmem>>)
      tpu.yield
    }) : () -> ()
    %dma_start3A = arith.constant 0 : i32
    %dma_start3A_5 = arith.constant 0 : i32
    %dma_start3A_6 = tpu.memref_slice %arg2[%dma_start3A, %dma_start3A_5] : memref<6144x1024xf32, #tpu.memory_space<hbm>> -> memref<6144x1024xf32, #tpu.memory_space<hbm>>
    tpu.enqueue_indirect_dma source(%dma_start3A_6 : memref<6144x1024xf32, #tpu.memory_space<hbm>>) target(%arg6 : memref<64x1024xf32, #tpu.memory_space<vmem>>) offsets(%arg5 : memref<64xi32, #tpu.memory_space<vmem>>) semaphore(%arg7 : memref<!tpu.dma_semaphore, #tpu.memory_space<semaphore_mem>>)
    %dma_wait3A = arith.constant 0 : i32
    %dma_wait3A_7 = arith.constant 0 : i32
    %dma_wait3A_8 = tpu.memref_slice %arg2[%dma_wait3A, %dma_wait3A_7] : memref<6144x1024xf32, #tpu.memory_space<hbm>> -> memref<6144x1024xf32, #tpu.memory_space<hbm>>
    tpu.wait_indirect_dma semaphore(%arg7 : memref<!tpu.dma_semaphore, #tpu.memory_space<semaphore_mem>>) src(%dma_wait3A_8 : memref<6144x1024xf32, #tpu.memory_space<hbm>>) dst(%arg6 : memref<64x1024xf32, #tpu.memory_space<vmem>>)
    %add3A_9 = arith.constant 0 : i32
    %add3A_10 = arith.addi %mul3A_2, %add3A_9 : i32
    "tpu.region"() ({
      %run_scoped3A = tpu.sem_alloc : memref<!tpu.dma_semaphore, #tpu.memory_space<semaphore_mem>>
      %dma_start3A_21 = arith.constant 0 : i32
      %dma_start3A_22 = tpu.memref_slice %arg4[%add3A_10, %dma_start3A_21] : memref<4096x1024xf32, #tpu.memory_space<hbm>> -> memref<64x1024xf32, #tpu.memory_space<hbm>>
      %dma_start3A_23 = arith.constant 0 : i32
      %dma_start3A_24 = tpu.memref_slice %arg4[%add3A_10, %dma_start3A_23] : memref<4096x1024xf32, #tpu.memory_space<hbm>> -> memref<64x1024xf32, #tpu.memory_space<hbm>>
      tpu.enqueue_dma source(%arg6 : memref<64x1024xf32, #tpu.memory_space<vmem>>) target(%dma_start3A_24 : memref<64x1024xf32, #tpu.memory_space<hbm>>) target_semaphore(%run_scoped3A : memref<!tpu.dma_semaphore, #tpu.memory_space<semaphore_mem>>)
      %dma_wait3A_25 = arith.constant 0 : i32
      %dma_wait3A_26 = tpu.memref_slice %arg4[%add3A_10, %dma_wait3A_25] : memref<4096x1024xf32, #tpu.memory_space<hbm>> -> memref<64x1024xf32, #tpu.memory_space<hbm>>
      %dma_wait3A_27 = arith.constant 0 : i32
      %dma_wait3A_28 = tpu.memref_slice %arg4[%add3A_10, %dma_wait3A_27] : memref<4096x1024xf32, #tpu.memory_space<hbm>> -> memref<64x1024xf32, #tpu.memory_space<hbm>>
      tpu.wait_dma2 semaphore(%run_scoped3A : memref<!tpu.dma_semaphore, #tpu.memory_space<semaphore_mem>>) src(%arg6 : memref<64x1024xf32, #tpu.memory_space<vmem>>) dst(%dma_wait3A_28 : memref<64x1024xf32, #tpu.memory_space<hbm>>)
      tpu.yield
    }) : () -> ()
    %add3A_11 = arith.constant 64 : i32
    %add3A_12 = arith.addi %mul3A_2, %add3A_11 : i32
    "tpu.region"() ({
      %run_scoped3A = tpu.sem_alloc : memref<!tpu.dma_semaphore, #tpu.memory_space<semaphore_mem>>
      %dma_start3A_21 = tpu.memref_slice %arg3[%add3A_12] : memref<4096xi32, #tpu.memory_space<hbm>> -> memref<64xi32, #tpu.memory_space<hbm>>
      %dma_start3A_22 = tpu.memref_slice %arg3[%add3A_12] : memref<4096xi32, #tpu.memory_space<hbm>> -> memref<64xi32, #tpu.memory_space<hbm>>
      tpu.enqueue_dma source(%dma_start3A_22 : memref<64xi32, #tpu.memory_space<hbm>>) target(%arg5 : memref<64xi32, #tpu.memory_space<vmem>>) target_semaphore(%run_scoped3A : memref<!tpu.dma_semaphore, #tpu.memory_space<semaphore_mem>>)
      %dma_wait3A_23 = tpu.memref_slice %arg3[%add3A_12] : memref<4096xi32, #tpu.memory_space<hbm>> -> memref<64xi32, #tpu.memory_space<hbm>>
      %dma_wait3A_24 = tpu.memref_slice %arg3[%add3A_12] : memref<4096xi32, #tpu.memory_space<hbm>> -> memref<64xi32, #tpu.memory_space<hbm>>
      tpu.wait_dma2 semaphore(%run_scoped3A : memref<!tpu.dma_semaphore, #tpu.memory_space<semaphore_mem>>) src(%dma_wait3A_24 : memref<64xi32, #tpu.memory_space<hbm>>) dst(%arg5 : memref<64xi32, #tpu.memory_space<vmem>>)
      tpu.yield
    }) : () -> ()
    %dma_start3A_13 = arith.constant 0 : i32
    %dma_start3A_14 = arith.constant 0 : i32
    %dma_start3A_15 = tpu.memref_slice %arg2[%dma_start3A_13, %dma_start3A_14] : memref<6144x1024xf32, #tpu.memory_space<hbm>> -> memref<6144x1024xf32, #tpu.memory_space<hbm>>
    tpu.enqueue_indirect_dma source(%dma_start3A_15 : memref<6144x1024xf32, #tpu.memory_space<hbm>>) target(%arg6 : memref<64x1024xf32, #tpu.memory_space<vmem>>) offsets(%arg5 : memref<64xi32, #tpu.memory_space<vmem>>) semaphore(%arg7 : memref<!tpu.dma_semaphore, #tpu.memory_space<semaphore_mem>>)
    %dma_wait3A_16 = arith.constant 0 : i32
    %dma_wait3A_17 = arith.constant 0 : i32
    %dma_wait3A_18 = tpu.memref_slice %arg2[%dma_wait3A_16, %dma_wait3A_17] : memref<6144x1024xf32, #tpu.memory_space<hbm>> -> memref<6144x1024xf32, #tpu.memory_space<hbm>>
    tpu.wait_indirect_dma semaphore(%arg7 : memref<!tpu.dma_semaphore, #tpu.memory_space<semaphore_mem>>) src(%dma_wait3A_18 : memref<6144x1024xf32, #tpu.memory_space<hbm>>) dst(%arg6 : memref<64x1024xf32, #tpu.memory_space<vmem>>)
    %add3A_19 = arith.constant 64 : i32
    %add3A_20 = arith.addi %mul3A_2, %add3A_19 : i32
    "tpu.region"() ({
      %run_scoped3A = tpu.sem_alloc : memref<!tpu.dma_semaphore, #tpu.memory_space<semaphore_mem>>
      %dma_start3A_21 = arith.constant 0 : i32
      %dma_start3A_22 = tpu.memref_slice %arg4[%add3A_20, %dma_start3A_21] : memref<4096x1024xf32, #tpu.memory_space<hbm>> -> memref<64x1024xf32, #tpu.memory_space<hbm>>
      %dma_start3A_23 = arith.constant 0 : i32
      %dma_start3A_24 = tpu.memref_slice %arg4[%add3A_20, %dma_start3A_23] : memref<4096x1024xf32, #tpu.memory_space<hbm>> -> memref<64x1024xf32, #tpu.memory_space<hbm>>
      tpu.enqueue_dma source(%arg6 : memref<64x1024xf32, #tpu.memory_space<vmem>>) target(%dma_start3A_24 : memref<64x1024xf32, #tpu.memory_space<hbm>>) target_semaphore(%run_scoped3A : memref<!tpu.dma_semaphore, #tpu.memory_space<semaphore_mem>>)
      %dma_wait3A_25 = arith.constant 0 : i32
      %dma_wait3A_26 = tpu.memref_slice %arg4[%add3A_20, %dma_wait3A_25] : memref<4096x1024xf32, #tpu.memory_space<hbm>> -> memref<64x1024xf32, #tpu.memory_space<hbm>>
      %dma_wait3A_27 = arith.constant 0 : i32
      %dma_wait3A_28 = tpu.memref_slice %arg4[%add3A_20, %dma_wait3A_27] : memref<4096x1024xf32, #tpu.memory_space<hbm>> -> memref<64x1024xf32, #tpu.memory_space<hbm>>
      tpu.wait_dma2 semaphore(%run_scoped3A : memref<!tpu.dma_semaphore, #tpu.memory_space<semaphore_mem>>) src(%arg6 : memref<64x1024xf32, #tpu.memory_space<vmem>>) dst(%dma_wait3A_28 : memref<64x1024xf32, #tpu.memory_space<hbm>>)
      tpu.yield
    }) : () -> ()
    return
  }
}

module attributes {stable_mosaic.version = 14 : i64} {
  func.func @_routing_body(%arg0: memref<2048x1024xf32, #tpu.memory_space<vmem>>, %arg1: memref<1024x128xf32, #tpu.memory_space<vmem>>, %arg2: memref<1x128xf32, #tpu.memory_space<vmem>>, %arg3: memref<2048x128xi32, #tpu.memory_space<vmem>>, %arg4: memref<2048x128xf32, #tpu.memory_space<vmem>>, %arg5: memref<2048x128xi32, #tpu.memory_space<vmem>>) attributes {dimension_semantics = [], scalar_prefetch = 0 : i64, scratch_operands = 0 : i64, tpu.core_type = #tpu.core_type<tc>} {
    %get3A = arith.constant 0 : index
    %get3A_0 = arith.constant 0 : index
    %get3A_1 = vector.load %arg0[%get3A, %get3A_0] : memref<2048x1024xf32, #tpu.memory_space<vmem>>, vector<2048x1024xf32>
    %get3A_2 = arith.constant 0 : index
    %get3A_3 = arith.constant 0 : index
    %get3A_4 = vector.load %arg1[%get3A_2, %get3A_3] : memref<1024x128xf32, #tpu.memory_space<vmem>>, vector<1024x128xf32>
    %dot_general3A = arith.constant dense<0.000000e+00> : vector<2048x128xf32>
    %dot_general3A_5 = tpu.matmul %get3A_1, %get3A_4, %dot_general3A {dimension_numbers = #tpu.dot_dimension_numbers<[1], [0], [0], [1], [0, 0, 1, 1], [], []>, transpose_lhs_hint = false} : vector<2048x1024xf32>, vector<1024x128xf32>, vector<2048x128xf32> -> vector<2048x128xf32>
    %get3A_6 = arith.constant 0 : index
    %get3A_7 = arith.constant 0 : index
    %get3A_8 = vector.load %arg2[%get3A_6, %get3A_7] : memref<1x128xf32, #tpu.memory_space<vmem>>, vector<1x128xf32>
    %add3A = vector.broadcast %get3A_8 : vector<1x128xf32> to vector<2048x128xf32>
    %add3A_9 = arith.addf %dot_general3A_5, %add3A : vector<2048x128xf32>
    %iota3A = tpu.iota {dimensions = array<i32: 1>} : vector<2048x128xi32>
    %logistic3A = arith.negf %add3A_9 : vector<2048x128xf32>
    %logistic3A_10 = math.exp %logistic3A : vector<2048x128xf32>
    %logistic3A_11 = arith.constant 1.000000e+00 : f32
    %logistic3A_12 = vector.broadcast %logistic3A_11 : f32 to vector<2048x128xf32>
    %logistic3A_13 = arith.addf %logistic3A_12, %logistic3A_10 : vector<2048x128xf32>
    %logistic3A_14 = arith.divf %logistic3A_12, %logistic3A_13 : vector<2048x128xf32>
    %lt3A = arith.constant 7 : i32
    %lt3A_15 = vector.broadcast %lt3A : i32 to vector<2048x128xi32>
    %lt3A_16 = arith.cmpi slt, %iota3A, %lt3A_15 : vector<2048x128xi32>
    %jit3A = arith.constant -1.000000e+00 : f32
    %broadcast_in_dim3A = vector.broadcast %jit3A : f32 to vector<2048x128xf32>
    %select_n3A = arith.select %lt3A_16, %logistic3A_14, %broadcast_in_dim3A : vector<2048x128xi1>, vector<2048x128xf32>
    %reduce_max3A = arith.constant dense<0xFF800000> : vector<2048xf32>
    %reduce_max3A_17 = vector.multi_reduction <maximumf>, %select_n3A, %reduce_max3A [1] : vector<2048x128xf32> to vector<2048xf32>
    %broadcast_in_dim3A_18 = vector.shape_cast %reduce_max3A_17 : vector<2048xf32> to vector<2048x1xf32>
    %eq3A = vector.broadcast %broadcast_in_dim3A_18 : vector<2048x1xf32> to vector<2048x128xf32>
    %eq3A_19 = arith.cmpf oeq, %select_n3A, %eq3A : vector<2048x128xf32>
    %jit3A_20 = arith.constant 128 : i32
    %broadcast_in_dim3A_21 = vector.broadcast %jit3A_20 : i32 to vector<2048x128xi32>
    %select_n3A_22 = arith.select %eq3A_19, %iota3A, %broadcast_in_dim3A_21 : vector<2048x128xi1>, vector<2048x128xi32>
    %reduce_min3A = arith.constant dense<2147483647> : vector<2048xi32>
    %reduce_min3A_23 = vector.multi_reduction <minsi>, %select_n3A_22, %reduce_min3A [1] : vector<2048x128xi32> to vector<2048xi32>
    %broadcast_in_dim3A_24 = vector.shape_cast %reduce_min3A_23 : vector<2048xi32> to vector<2048x1xi32>
    %eq3A_25 = vector.broadcast %broadcast_in_dim3A_24 : vector<2048x1xi32> to vector<2048x128xi32>
    %eq3A_26 = arith.cmpi eq, %iota3A, %eq3A_25 : vector<2048x128xi32>
    %jit3A_27 = arith.constant -1.000000e+00 : f32
    %broadcast_in_dim3A_28 = vector.broadcast %jit3A_27 : f32 to vector<2048x128xf32>
    %select_n3A_29 = arith.select %eq3A_26, %broadcast_in_dim3A_28, %select_n3A : vector<2048x128xi1>, vector<2048x128xf32>
    %reduce_max3A_30 = arith.constant dense<0xFF800000> : vector<2048xf32>
    %reduce_max3A_31 = vector.multi_reduction <maximumf>, %select_n3A_29, %reduce_max3A_30 [1] : vector<2048x128xf32> to vector<2048xf32>
    %broadcast_in_dim3A_32 = vector.shape_cast %reduce_max3A_31 : vector<2048xf32> to vector<2048x1xf32>
    %eq3A_33 = vector.broadcast %broadcast_in_dim3A_32 : vector<2048x1xf32> to vector<2048x128xf32>
    %eq3A_34 = arith.cmpf oeq, %select_n3A_29, %eq3A_33 : vector<2048x128xf32>
    %jit3A_35 = arith.constant 128 : i32
    %broadcast_in_dim3A_36 = vector.broadcast %jit3A_35 : i32 to vector<2048x128xi32>
    %select_n3A_37 = arith.select %eq3A_34, %iota3A, %broadcast_in_dim3A_36 : vector<2048x128xi1>, vector<2048x128xi32>
    %reduce_min3A_38 = arith.constant dense<2147483647> : vector<2048xi32>
    %reduce_min3A_39 = vector.multi_reduction <minsi>, %select_n3A_37, %reduce_min3A_38 [1] : vector<2048x128xi32> to vector<2048xi32>
    %broadcast_in_dim3A_40 = vector.shape_cast %reduce_min3A_39 : vector<2048xi32> to vector<2048x1xi32>
    %add3A_41 = arith.addf %broadcast_in_dim3A_18, %broadcast_in_dim3A_32 : vector<2048x1xf32>
    %eq3A_42 = arith.constant 0 : i32
    %eq3A_43 = vector.broadcast %eq3A_42 : i32 to vector<2048x128xi32>
    %eq3A_44 = arith.cmpi eq, %iota3A, %eq3A_43 : vector<2048x128xi32>
    %eq3A_45 = arith.constant 1 : i32
    %eq3A_46 = vector.broadcast %eq3A_45 : i32 to vector<2048x128xi32>
    %eq3A_47 = arith.cmpi eq, %iota3A, %eq3A_46 : vector<2048x128xi32>
    %jit3A_48 = arith.constant 0 : i32
    %broadcast_in_dim3A_49 = vector.shape_cast %broadcast_in_dim3A_40 : vector<2048x1xi32> to vector<2048x1xi32>
    %broadcast_in_dim3A_50 = vector.broadcast %broadcast_in_dim3A_49 : vector<2048x1xi32> to vector<2048x128xi32>
    %broadcast_in_dim3A_51 = vector.broadcast %jit3A_48 : i32 to vector<2048x128xi32>
    %select_n3A_52 = arith.select %eq3A_47, %broadcast_in_dim3A_50, %broadcast_in_dim3A_51 : vector<2048x128xi1>, vector<2048x128xi32>
    %broadcast_in_dim3A_53 = vector.shape_cast %broadcast_in_dim3A_24 : vector<2048x1xi32> to vector<2048x1xi32>
    %broadcast_in_dim3A_54 = vector.broadcast %broadcast_in_dim3A_53 : vector<2048x1xi32> to vector<2048x128xi32>
    %select_n3A_55 = arith.select %eq3A_44, %broadcast_in_dim3A_54, %select_n3A_52 : vector<2048x128xi1>, vector<2048x128xi32>
    %swap3A = arith.constant 0 : index
    %swap3A_56 = arith.constant 0 : index
    %swap3A_57 = vector.load %arg3[%swap3A, %swap3A_56] : memref<2048x128xi32, #tpu.memory_space<vmem>>, vector<2048x128xi32>
    tpu.vector_store %arg3[%swap3A, %swap3A_56], %select_n3A_55 {strides = array<i32>} : memref<2048x128xi32, #tpu.memory_space<vmem>>, vector<2048x128xi32>,
    %eq3A_58 = arith.constant 0 : i32
    %eq3A_59 = vector.broadcast %eq3A_58 : i32 to vector<2048x128xi32>
    %eq3A_60 = arith.cmpi eq, %iota3A, %eq3A_59 : vector<2048x128xi32>
    %div3A = arith.divf %broadcast_in_dim3A_18, %add3A_41 : vector<2048x1xf32>
    %eq3A_61 = arith.constant 1 : i32
    %eq3A_62 = vector.broadcast %eq3A_61 : i32 to vector<2048x128xi32>
    %eq3A_63 = arith.cmpi eq, %iota3A, %eq3A_62 : vector<2048x128xi32>
    %div3A_64 = arith.divf %broadcast_in_dim3A_32, %add3A_41 : vector<2048x1xf32>
    %jit3A_65 = arith.constant 0.000000e+00 : f32
    %broadcast_in_dim3A_66 = vector.shape_cast %div3A_64 : vector<2048x1xf32> to vector<2048x1xf32>
    %broadcast_in_dim3A_67 = vector.broadcast %broadcast_in_dim3A_66 : vector<2048x1xf32> to vector<2048x128xf32>
    %broadcast_in_dim3A_68 = vector.broadcast %jit3A_65 : f32 to vector<2048x128xf32>
    %select_n3A_69 = arith.select %eq3A_63, %broadcast_in_dim3A_67, %broadcast_in_dim3A_68 : vector<2048x128xi1>, vector<2048x128xf32>
    %broadcast_in_dim3A_70 = vector.shape_cast %div3A : vector<2048x1xf32> to vector<2048x1xf32>
    %broadcast_in_dim3A_71 = vector.broadcast %broadcast_in_dim3A_70 : vector<2048x1xf32> to vector<2048x128xf32>
    %select_n3A_72 = arith.select %eq3A_60, %broadcast_in_dim3A_71, %select_n3A_69 : vector<2048x128xi1>, vector<2048x128xf32>
    %swap3A_73 = arith.constant 0 : index
    %swap3A_74 = arith.constant 0 : index
    %swap3A_75 = vector.load %arg4[%swap3A_73, %swap3A_74] : memref<2048x128xf32, #tpu.memory_space<vmem>>, vector<2048x128xf32>
    tpu.vector_store %arg4[%swap3A_73, %swap3A_74], %select_n3A_72 {strides = array<i32>} : memref<2048x128xf32, #tpu.memory_space<vmem>>, vector<2048x128xf32>,
    %eq3A_76 = vector.broadcast %broadcast_in_dim3A_24 : vector<2048x1xi32> to vector<2048x128xi32>
    %eq3A_77 = arith.cmpi eq, %iota3A, %eq3A_76 : vector<2048x128xi32>
    %eq3A_78 = vector.broadcast %broadcast_in_dim3A_40 : vector<2048x1xi32> to vector<2048x128xi32>
    %eq3A_79 = arith.cmpi eq, %iota3A, %eq3A_78 : vector<2048x128xi32>
    %or3A = arith.ori %eq3A_77, %eq3A_79 : vector<2048x128xi1>
    %convert_element_type3A = arith.extui %or3A : vector<2048x128xi1> to vector<2048x128xi32>
    %swap3A_80 = arith.constant 0 : index
    %swap3A_81 = arith.constant 0 : index
    %swap3A_82 = vector.load %arg5[%swap3A_80, %swap3A_81] : memref<2048x128xi32, #tpu.memory_space<vmem>>, vector<2048x128xi32>
    tpu.vector_store %arg5[%swap3A_80, %swap3A_81], %convert_element_type3A {strides = array<i32>} : memref<2048x128xi32, #tpu.memory_space<vmem>>, vector<2048x128xi32>,
    return
  }
}

module attributes {stable_mosaic.version = 14 : i64} {
  func.func @_shared_body(%arg0: i32, %arg1: memref<256x1024xf32, #tpu.memory_space<vmem>>, %arg2: memref<1024x1024xf32, #tpu.memory_space<vmem>>, %arg3: memref<1024x1024xf32, #tpu.memory_space<vmem>>, %arg4: memref<1024x1024xf32, #tpu.memory_space<vmem>>, %arg5: memref<256x1024xf32, #tpu.memory_space<vmem>>) attributes {dimension_semantics = [#tpu.dimension_semantics<arbitrary>], iteration_bounds = array<i64: 8>, scalar_prefetch = 0 : i64, scratch_operands = 0 : i64, tpu.core_type = #tpu.core_type<tc>, window_params = [{transform_indices = @transform_0, window_bounds = array<i64: 256, 1024>}, {pipeline_mode = #tpu.pipeline_mode<synchronous>, transform_indices = @transform_1, window_bounds = array<i64: 1024, 1024>}, {pipeline_mode = #tpu.pipeline_mode<synchronous>, transform_indices = @transform_2, window_bounds = array<i64: 1024, 1024>}, {pipeline_mode = #tpu.pipeline_mode<synchronous>, transform_indices = @transform_3, window_bounds = array<i64: 1024, 1024>}, {transform_indices = @transform_4, window_bounds = array<i64: 256, 1024>}]} {
    %get3A = arith.constant 0 : index
    %get3A_0 = arith.constant 0 : index
    %get3A_1 = vector.load %arg1[%get3A, %get3A_0] : memref<256x1024xf32, #tpu.memory_space<vmem>>, vector<256x1024xf32>
    %convert_element_type3A = arith.truncf %get3A_1 : vector<256x1024xf32> to vector<256x1024xbf16>
    %get3A_2 = arith.constant 0 : index
    %get3A_3 = arith.constant 0 : index
    %get3A_4 = vector.load %arg2[%get3A_2, %get3A_3] : memref<1024x1024xf32, #tpu.memory_space<vmem>>, vector<1024x1024xf32>
    %convert_element_type3A_5 = arith.truncf %get3A_4 : vector<1024x1024xf32> to vector<1024x1024xbf16>
    %dot_general3A = arith.constant dense<0.000000e+00> : vector<256x1024xf32>
    %dot_general3A_6 = tpu.matmul %convert_element_type3A, %convert_element_type3A_5, %dot_general3A {dimension_numbers = #tpu.dot_dimension_numbers<[1], [0], [0], [1], [0, 0, 1, 1], [], []>, transpose_lhs_hint = false} : vector<256x1024xbf16>, vector<1024x1024xbf16>, vector<256x1024xf32> -> vector<256x1024xf32>
    %get3A_7 = arith.constant 0 : index
    %get3A_8 = arith.constant 0 : index
    %get3A_9 = vector.load %arg3[%get3A_7, %get3A_8] : memref<1024x1024xf32, #tpu.memory_space<vmem>>, vector<1024x1024xf32>
    %convert_element_type3A_10 = arith.truncf %get3A_9 : vector<1024x1024xf32> to vector<1024x1024xbf16>
    %dot_general3A_11 = arith.constant dense<0.000000e+00> : vector<256x1024xf32>
    %dot_general3A_12 = tpu.matmul %convert_element_type3A, %convert_element_type3A_10, %dot_general3A_11 {dimension_numbers = #tpu.dot_dimension_numbers<[1], [0], [0], [1], [0, 0, 1, 1], [], []>, transpose_lhs_hint = false} : vector<256x1024xbf16>, vector<1024x1024xbf16>, vector<256x1024xf32> -> vector<256x1024xf32>
    %logistic3A = arith.negf %dot_general3A_6 : vector<256x1024xf32>
    %logistic3A_13 = math.exp %logistic3A : vector<256x1024xf32>
    %logistic3A_14 = arith.constant 1.000000e+00 : f32
    %logistic3A_15 = vector.broadcast %logistic3A_14 : f32 to vector<256x1024xf32>
    %logistic3A_16 = arith.addf %logistic3A_15, %logistic3A_13 : vector<256x1024xf32>
    %logistic3A_17 = arith.divf %logistic3A_15, %logistic3A_16 : vector<256x1024xf32>
    %mul3A = arith.mulf %dot_general3A_6, %logistic3A_17 : vector<256x1024xf32>
    %mul3A_18 = arith.mulf %mul3A, %dot_general3A_12 : vector<256x1024xf32>
    %convert_element_type3A_19 = arith.truncf %mul3A_18 : vector<256x1024xf32> to vector<256x1024xbf16>
    %get3A_20 = arith.constant 0 : index
    %get3A_21 = arith.constant 0 : index
    %get3A_22 = vector.load %arg4[%get3A_20, %get3A_21] : memref<1024x1024xf32, #tpu.memory_space<vmem>>, vector<1024x1024xf32>
    %convert_element_type3A_23 = arith.truncf %get3A_22 : vector<1024x1024xf32> to vector<1024x1024xbf16>
    %dot_general3A_24 = arith.constant dense<0.000000e+00> : vector<256x1024xf32>
    %dot_general3A_25 = tpu.matmul %convert_element_type3A_19, %convert_element_type3A_23, %dot_general3A_24 {dimension_numbers = #tpu.dot_dimension_numbers<[1], [0], [0], [1], [0, 0, 1, 1], [], []>, transpose_lhs_hint = false} : vector<256x1024xbf16>, vector<1024x1024xbf16>, vector<256x1024xf32> -> vector<256x1024xf32>
    %swap3A = arith.constant 0 : index
    %swap3A_26 = arith.constant 0 : index
    %swap3A_27 = vector.load %arg5[%swap3A, %swap3A_26] : memref<256x1024xf32, #tpu.memory_space<vmem>>, vector<256x1024xf32>
    tpu.vector_store %arg5[%swap3A, %swap3A_26], %dot_general3A_25 {strides = array<i32>} : memref<256x1024xf32, #tpu.memory_space<vmem>>, vector<256x1024xf32>,
    return
  }
  func.func @transform_0(%arg0: i32) -> (i32, i32) {
    %c0_i32 = arith.constant 0 : i32
    %c0_i32_0 = arith.constant 0 : i32
    return %arg0, %c0_i32 : i32, i32
  }
  func.func @transform_1(%arg0: i32) -> (i32, i32) {
    %c0_i32 = arith.constant 0 : i32
    %c0_i32_0 = arith.constant 0 : i32
    %c0_i32_1 = arith.constant 0 : i32
    return %c0_i32, %c0_i32_0 : i32, i32
  }
  func.func @transform_2(%arg0: i32) -> (i32, i32) {
    %c0_i32 = arith.constant 0 : i32
    %c0_i32_0 = arith.constant 0 : i32
    %c0_i32_1 = arith.constant 0 : i32
    return %c0_i32, %c0_i32_0 : i32, i32
  }
  func.func @transform_3(%arg0: i32) -> (i32, i32) {
    %c0_i32 = arith.constant 0 : i32
    %c0_i32_0 = arith.constant 0 : i32
    %c0_i32_1 = arith.constant 0 : i32
    return %c0_i32, %c0_i32_0 : i32, i32
  }
  func.func @transform_4(%arg0: i32) -> (i32, i32) {
    %c0_i32 = arith.constant 0 : i32
    %c0_i32_0 = arith.constant 0 : i32
    return %arg0, %c0_i32 : i32, i32
  }
}

module attributes {stable_mosaic.version = 14 : i64} {
  func.func @_grouped_body(%arg0: i32, %arg1: memref<25xi32, #tpu.memory_space<smem>>, %arg2: memref<256x1024xf32, #tpu.memory_space<vmem>>, %arg3: memref<1x1024x1024xf32, #tpu.memory_space<vmem>>, %arg4: memref<1x1024x1024xf32, #tpu.memory_space<vmem>>, %arg5: memref<1x1024x1024xf32, #tpu.memory_space<vmem>>, %arg6: memref<256x1024xf32, #tpu.memory_space<vmem>>) attributes {dimension_semantics = [#tpu.dimension_semantics<arbitrary>], iteration_bounds = array<i64: 24>, scalar_prefetch = 1 : i64, scratch_operands = 0 : i64, tpu.core_type = #tpu.core_type<tc>, window_params = [{transform_indices = @transform_0, window_bounds = array<i64: 256, 1024>}, {transform_indices = @transform_1, window_bounds = array<i64: 1, 1024, 1024>}, {transform_indices = @transform_2, window_bounds = array<i64: 1, 1024, 1024>}, {transform_indices = @transform_3, window_bounds = array<i64: 1, 1024, 1024>}, {transform_indices = @transform_4, window_bounds = array<i64: 256, 1024>}]} {
    %get3A = arith.constant 24 : index
    %get3A_0 = memref.load %arg1[%get3A] : memref<25xi32, #tpu.memory_space<smem>>
    %lt3A = arith.cmpi slt, %arg0, %get3A_0 : i32
    %convert_element_type3A = arith.extui %lt3A : i1 to i32
    %cond3A = arith.constant 0 : i32
    %cond3A_1 = arith.cmpi ne, %convert_element_type3A, %cond3A : i32
    scf.if %cond3A_1 {
      %get3A_2 = arith.constant 0 : index
      %get3A_3 = arith.constant 0 : index
      %get3A_4 = vector.load %arg2[%get3A_2, %get3A_3] : memref<256x1024xf32, #tpu.memory_space<vmem>>, vector<256x1024xf32>
      %convert_element_type3A_5 = arith.truncf %get3A_4 : vector<256x1024xf32> to vector<256x1024xbf16>
      %get3A_6 = arith.constant 0 : index
      %get3A_7 = arith.constant 0 : index
      %get3A_8 = arith.constant 0 : index
      %get3A_9 = vector.load %arg3[%get3A_6, %get3A_7, %get3A_8] : memref<1x1024x1024xf32, #tpu.memory_space<vmem>>, vector<1x1024x1024xf32>
      %get3A_10 = vector.shape_cast %get3A_9 : vector<1x1024x1024xf32> to vector<1024x1024xf32>
      %convert_element_type3A_11 = arith.truncf %get3A_10 : vector<1024x1024xf32> to vector<1024x1024xbf16>
      %dot_general3A = arith.constant dense<0.000000e+00> : vector<256x1024xf32>
      %dot_general3A_12 = tpu.matmul %convert_element_type3A_5, %convert_element_type3A_11, %dot_general3A {dimension_numbers = #tpu.dot_dimension_numbers<[1], [0], [0], [1], [0, 0, 1, 1], [], []>, transpose_lhs_hint = false} : vector<256x1024xbf16>, vector<1024x1024xbf16>, vector<256x1024xf32> -> vector<256x1024xf32>
      %get3A_13 = arith.constant 0 : index
      %get3A_14 = arith.constant 0 : index
      %get3A_15 = arith.constant 0 : index
      %get3A_16 = vector.load %arg4[%get3A_13, %get3A_14, %get3A_15] : memref<1x1024x1024xf32, #tpu.memory_space<vmem>>, vector<1x1024x1024xf32>
      %get3A_17 = vector.shape_cast %get3A_16 : vector<1x1024x1024xf32> to vector<1024x1024xf32>
      %convert_element_type3A_18 = arith.truncf %get3A_17 : vector<1024x1024xf32> to vector<1024x1024xbf16>
      %dot_general3A_19 = arith.constant dense<0.000000e+00> : vector<256x1024xf32>
      %dot_general3A_20 = tpu.matmul %convert_element_type3A_5, %convert_element_type3A_18, %dot_general3A_19 {dimension_numbers = #tpu.dot_dimension_numbers<[1], [0], [0], [1], [0, 0, 1, 1], [], []>, transpose_lhs_hint = false} : vector<256x1024xbf16>, vector<1024x1024xbf16>, vector<256x1024xf32> -> vector<256x1024xf32>
      %logistic3A = arith.negf %dot_general3A_12 : vector<256x1024xf32>
      %logistic3A_21 = math.exp %logistic3A : vector<256x1024xf32>
      %logistic3A_22 = arith.constant 1.000000e+00 : f32
      %logistic3A_23 = vector.broadcast %logistic3A_22 : f32 to vector<256x1024xf32>
      %logistic3A_24 = arith.addf %logistic3A_23, %logistic3A_21 : vector<256x1024xf32>
      %logistic3A_25 = arith.divf %logistic3A_23, %logistic3A_24 : vector<256x1024xf32>
      %mul3A = arith.mulf %dot_general3A_12, %logistic3A_25 : vector<256x1024xf32>
      %mul3A_26 = arith.mulf %mul3A, %dot_general3A_20 : vector<256x1024xf32>
      %convert_element_type3A_27 = arith.truncf %mul3A_26 : vector<256x1024xf32> to vector<256x1024xbf16>
      %get3A_28 = arith.constant 0 : index
      %get3A_29 = arith.constant 0 : index
      %get3A_30 = arith.constant 0 : index
      %get3A_31 = vector.load %arg5[%get3A_28, %get3A_29, %get3A_30] : memref<1x1024x1024xf32, #tpu.memory_space<vmem>>, vector<1x1024x1024xf32>
      %get3A_32 = vector.shape_cast %get3A_31 : vector<1x1024x1024xf32> to vector<1024x1024xf32>
      %convert_element_type3A_33 = arith.truncf %get3A_32 : vector<1024x1024xf32> to vector<1024x1024xbf16>
      %dot_general3A_34 = arith.constant dense<0.000000e+00> : vector<256x1024xf32>
      %dot_general3A_35 = tpu.matmul %convert_element_type3A_27, %convert_element_type3A_33, %dot_general3A_34 {dimension_numbers = #tpu.dot_dimension_numbers<[1], [0], [0], [1], [0, 0, 1, 1], [], []>, transpose_lhs_hint = false} : vector<256x1024xbf16>, vector<1024x1024xbf16>, vector<256x1024xf32> -> vector<256x1024xf32>
      %swap3A = arith.constant 0 : index
      %swap3A_36 = arith.constant 0 : index
      %swap3A_37 = vector.load %arg6[%swap3A, %swap3A_36] : memref<256x1024xf32, #tpu.memory_space<vmem>>, vector<256x1024xf32>
      tpu.vector_store %arg6[%swap3A, %swap3A_36], %dot_general3A_35 {strides = array<i32>} : memref<256x1024xf32, #tpu.memory_space<vmem>>, vector<256x1024xf32>,
    } else {
    }
    return
  }
  func.func @transform_0(%arg0: i32, %arg1: memref<25xi32, #tpu.memory_space<smem>>) -> (i32, i32) {
    %c0_i32 = arith.constant 0 : i32
    %c0_i32_0 = arith.constant 0 : i32
    return %arg0, %c0_i32 : i32, i32
  }
  func.func @transform_1(%arg0: i32, %arg1: memref<25xi32, #tpu.memory_space<smem>>) -> (i32, i32, i32) {
    %get3A = arith.index_cast %arg0 : i32 to index
    %get3A_0 = memref.load %arg1[%get3A] : memref<25xi32, #tpu.memory_space<smem>>
    %c0_i32 = arith.constant 0 : i32
    %c0_i32_1 = arith.constant 0 : i32
    %c0_i32_2 = arith.constant 0 : i32
    return %get3A_0, %c0_i32, %c0_i32_1 : i32, i32, i32
  }
  func.func @transform_2(%arg0: i32, %arg1: memref<25xi32, #tpu.memory_space<smem>>) -> (i32, i32, i32) {
    %get3A = arith.index_cast %arg0 : i32 to index
    %get3A_0 = memref.load %arg1[%get3A] : memref<25xi32, #tpu.memory_space<smem>>
    %c0_i32 = arith.constant 0 : i32
    %c0_i32_1 = arith.constant 0 : i32
    %c0_i32_2 = arith.constant 0 : i32
    return %get3A_0, %c0_i32, %c0_i32_1 : i32, i32, i32
  }
  func.func @transform_3(%arg0: i32, %arg1: memref<25xi32, #tpu.memory_space<smem>>) -> (i32, i32, i32) {
    %get3A = arith.index_cast %arg0 : i32 to index
    %get3A_0 = memref.load %arg1[%get3A] : memref<25xi32, #tpu.memory_space<smem>>
    %c0_i32 = arith.constant 0 : i32
    %c0_i32_1 = arith.constant 0 : i32
    %c0_i32_2 = arith.constant 0 : i32
    return %get3A_0, %c0_i32, %c0_i32_1 : i32, i32, i32
  }
  func.func @transform_4(%arg0: i32, %arg1: memref<25xi32, #tpu.memory_space<smem>>) -> (i32, i32) {
    %c0_i32 = arith.constant 0 : i32
    %c0_i32_0 = arith.constant 0 : i32
    return %arg0, %c0_i32 : i32, i32
  }
}

module attributes {stable_mosaic.version = 14 : i64} {
  func.func @_add_body(%arg0: i32, %arg1: memref<512x1024xf32, #tpu.memory_space<vmem>>, %arg2: memref<512x128xf32, #tpu.memory_space<vmem>>, %arg3: memref<512x1024xf32, #tpu.memory_space<vmem>>, %arg4: memref<512x1024xf32, #tpu.memory_space<vmem>>, %arg5: memref<512x1024xf32, #tpu.memory_space<vmem>>) attributes {dimension_semantics = [#tpu.dimension_semantics<arbitrary>], iteration_bounds = array<i64: 4>, scalar_prefetch = 0 : i64, scratch_operands = 0 : i64, tpu.core_type = #tpu.core_type<tc>, window_params = [{transform_indices = @transform_0, window_bounds = array<i64: 512, 1024>}, {transform_indices = @transform_1, window_bounds = array<i64: 512, 128>}, {transform_indices = @transform_2, window_bounds = array<i64: 512, 1024>}, {transform_indices = @transform_3, window_bounds = array<i64: 512, 1024>}, {transform_indices = @transform_4, window_bounds = array<i64: 512, 1024>}]} {
    %get3A = arith.constant 0 : index
    %get3A_0 = arith.constant 0 : index
    %get3A_1 = vector.load %arg1[%get3A, %get3A_0] : memref<512x1024xf32, #tpu.memory_space<vmem>>, vector<512x1024xf32>
    %get3A_2 = arith.constant 0 : index
    %get3A_3 = arith.constant 0 : index
    %get3A_4 = vector.load %arg2[%get3A_2, %get3A_3] : memref<512x128xf32, #tpu.memory_space<vmem>>, vector<512x1xf32>
    %get3A_5 = arith.constant 0 : index
    %get3A_6 = arith.constant 0 : index
    %get3A_7 = vector.load %arg3[%get3A_5, %get3A_6] : memref<512x1024xf32, #tpu.memory_space<vmem>>, vector<512x1024xf32>
    %mul3A = vector.broadcast %get3A_4 : vector<512x1xf32> to vector<512x1024xf32>
    %mul3A_8 = arith.mulf %mul3A, %get3A_7 : vector<512x1024xf32>
    %add3A = arith.addf %get3A_1, %mul3A_8 : vector<512x1024xf32>
    %get3A_9 = arith.constant 0 : index
    %get3A_10 = arith.constant 1 : index
    %get3A_11 = vector.load %arg2[%get3A_9, %get3A_10] : memref<512x128xf32, #tpu.memory_space<vmem>>, vector<512x1xf32>
    %get3A_12 = arith.constant 0 : index
    %get3A_13 = arith.constant 0 : index
    %get3A_14 = vector.load %arg4[%get3A_12, %get3A_13] : memref<512x1024xf32, #tpu.memory_space<vmem>>, vector<512x1024xf32>
    %mul3A_15 = vector.broadcast %get3A_11 : vector<512x1xf32> to vector<512x1024xf32>
    %mul3A_16 = arith.mulf %mul3A_15, %get3A_14 : vector<512x1024xf32>
    %add3A_17 = arith.addf %add3A, %mul3A_16 : vector<512x1024xf32>
    %swap3A = arith.constant 0 : index
    %swap3A_18 = arith.constant 0 : index
    %swap3A_19 = vector.load %arg5[%swap3A, %swap3A_18] : memref<512x1024xf32, #tpu.memory_space<vmem>>, vector<512x1024xf32>
    tpu.vector_store %arg5[%swap3A, %swap3A_18], %add3A_17 {strides = array<i32>} : memref<512x1024xf32, #tpu.memory_space<vmem>>, vector<512x1024xf32>,
    return
  }
  func.func @transform_0(%arg0: i32) -> (i32, i32) {
    %c0_i32 = arith.constant 0 : i32
    %c0_i32_0 = arith.constant 0 : i32
    return %arg0, %c0_i32 : i32, i32
  }
  func.func @transform_1(%arg0: i32) -> (i32, i32) {
    %c0_i32 = arith.constant 0 : i32
    %c0_i32_0 = arith.constant 0 : i32
    return %arg0, %c0_i32 : i32, i32
  }
  func.func @transform_2(%arg0: i32) -> (i32, i32) {
    %c0_i32 = arith.constant 0 : i32
    %c0_i32_0 = arith.constant 0 : i32
    return %arg0, %c0_i32 : i32, i32
  }
  func.func @transform_3(%arg0: i32) -> (i32, i32) {
    %add3A = arith.constant 4 : i32
    %add3A_0 = arith.addi %arg0, %add3A : i32
    %c0_i32 = arith.constant 0 : i32
    %c0_i32_1 = arith.constant 0 : i32
    return %add3A_0, %c0_i32 : i32, i32
  }
  func.func @transform_4(%arg0: i32) -> (i32, i32) {
    %c0_i32 = arith.constant 0 : i32
    %c0_i32_0 = arith.constant 0 : i32
    return %arg0, %c0_i32 : i32, i32
  }
}

</mosaic_0001>

<sc_bundles>
// kernel: kernel.11.cloned.1.call-start
scs
__scs_entry_jumppad:
0x0: {  	(pc) =	sbr.rel $0x88, $3  }
0x1: {  	(tag) =	ssettag $0x0;
	lr =	simm.s32 $0x1  }
0x2: {  	[smem:$0x3F97] =	sst lr;
	_ =	strace $0xD0000000  }
0x3: {  	_ = 	snop  }
0x4: {  	_ = 	snop  }
0x5: {  	_ = 	snop  }
0x6: {  	_ = 	snop  }
0x7: {  	_ = 	snop  }
__scs_overlays_trampoline_lowered:
0x8: {  	[smem:$0x3FA6] =	sst s0  }
0x9: {  	[smem:$0x3FA7] =	sst s1  }
0xa: {  	[smem:$0x3FA8] =	sst s2  }
0xb: {  	[smem:$0x3FA9] =	sst s3  }
0xc: {  	[smem:$0x3FAA] =	sst s4  }
0xd: {  	[smem:$0x3FAB] =	sst s5  }
0xe: {  	[smem:$0x3FAC] =	sst s6  }
0xf: {  	[smem:$0x3FAD] =	sst s7  }
0x10: {  	[smem:$0x3FAE] =	sst s8  }
0x11: {  	[smem:$0x3FAF] =	sst s9;
	s0 =	simm.s32 @!p0 $0x0  }
0x12: {  	s1 =	sld [smem:$0x3F95];
	s0 =	simm.s32 @p0 $0x1  }
0x13: {  	[smem:$0x3FB0] =	sst s0;
	s0 =	simm.s32 @!p1 $0x0  }
0x14: {  	s2 =	sld [smem:$0x3F94];
	s0 =	simm.s32 @p1 $0x1  }
0x15: {  	[smem:$0x3FB1] =	sst s0;
	s0 =	simm.s32 @!p2 $0x0  }
0x16: {  	s3 =	sld [smem:$0x3FDB];
	s0 =	simm.s32 @p2 $0x1  }
0x17: {  	s4 =	simm.s32 $0x1BF5;
	[smem:$0x3FB3] =	sst s0  }
0x18: {  	s0 =	sld [smem:$0x3F96];
	_ =	swait.ge [sflag:s4], $0x0  }
0x19: {  	s7 =	sld [smem:$0x3F97]  }
0x1a: {  	s8 =	sadd.s32 $0xFFFFE003, lr  }
0x1b: {  	s9 =	sadd.s32 $0xFFFFFEF7, lr;
	s5 =	simm.s32 $0xFFFFFFFF;
	p2 =	slt.u32 s8, $0xFFFFF086  }
0x1c: {  	p1 =	slt.u32 s9, $0xF7A;
	s5 =	simm.s32 @!p2 $0x0  }
0x1d: {  	s5 =	simm.s32 @p1 $0x1;
	p0 =	seq.s32 s7, s2  }
0x1e: {  	s7 =	smul.u32 @!p0 $0xF7A, s2;
	p2 =	seq.s32 @!p0 s5, $0x0  }
0x1f: {  	s9 =	smul.u32 $0xF7A, s1;
	s8 =	simm.s32 @!p0 $0x1BF5;
	p2 =	por !p2, p0  }
0x20: {  	[sflag:s8] =	ssyncset.s32 @!p0 $0xFFFFF086;
	s6 =	sadd.s32 @!p0 s3, s7;
	s7 =	simm.s32 @!p0 $0x108  }
0x21: {  	s3 =	sadd.s32 s3, s9;
	s6 =	sadd.s32 @!p0 $0x88, s6;
	s7 =	simm.s32 @p2 $0x1082  }
0x22: {  	[simem:s7], [sflag:s8] =	dma.local @!p0 [hbm:s6], $0xF7A  }
0x23: {  	s9 =	sor.u32 $0xD0000000, s2;
	s6 =	simm.s32 $0x108;
	_ =	swait.ge @!p0 [sflag:s8], $0x0  }
0x24: {  	s3 =	sadd.s32 $0x88, s3;
	s6 =	simm.s32 @!p1 $0x1082;
	[sflag:s4] =	ssyncset.s32 $0xFFFFF086  }
0x25: {  	[simem:s6], [sflag:s4] =	dma.local [hbm:s3], $0xF7A  }
0x26: {  	[smem:$0x3F97] =	sst s1;
	(tag) =	ssettag s2;
	_ =	strace s9  }
0x27: {  	s1 =	sld [smem:$0x3FA7]  }
0x28: {  	s2 =	sld [smem:$0x3FA8]  }
0x29: {  	s4 =	sld [smem:$0x3FAA]  }
0x2a: {  	p0 =	seq.s32 s5, $0x0;
	s5 =	sld [smem:$0x3FAB]  }
0x2b: {  	s6 =	sld [smem:$0x3FAC]  }
0x2c: {  	s7 =	sld [smem:$0x3FAD]  }
0x2d: {  	s3 =	simm.s32 $0x108;
	s8 =	sld [smem:$0x3FAE]  }
0x2e: {  	s3 =	simm.s32 @!p0 $0x1082;
	s9 =	sld [smem:$0x3FAF]  }
0x2f: {  	lr =	sadd.s32 s0, s3;
	s0 =	sld [smem:$0x3FA6]  }
0x30: {  	s3 =	sld [smem:$0x3FA9]  }
0x31: {  	[smem:$0x3FB2] =	sst s10  }
0x32: {  	s10 =	sld [smem:$0x3FB0];
	_ =	sdelay $0x3  }
0x33: {  	p0 =	seq.s32 s10, $0x1;
	s10 =	sld [smem:$0x3FB2];
	_ =	sdelay $0x3  }
0x34: {  	[smem:$0x3FB2] =	sst s10  }
0x35: {  	s10 =	sld [smem:$0x3FB1];
	_ =	sdelay $0x3  }
0x36: {  	p1 =	seq.s32 s10, $0x1;
	s10 =	sld [smem:$0x3FB2];
	_ =	sdelay $0x3  }
0x37: {  	[smem:$0x3FB2] =	sst s10  }
0x38: {  	s10 =	sld [smem:$0x3FB3]  }
0x39: {  	_ = 	snop;
	(pc) =	sbr.ind lr, $3  }
0x3a: {  	_ = 	snop  }
0x3b: {  	_ = 	snop  }
0x3c: {  	p2 =	seq.s32 s10, $0x1;
	s10 =	sld [smem:$0x3FB2]  }
0x3d: {  	_ =	shalt  }
0x3e: {  	_ =	shalt  }
0x3f: {  	_ =	shalt  }
0x40: {  	_ =	shalt  }
0x41: {  	_ =	shalt  }
0x42: {  	_ =	shalt  }
0x43: {  	_ =	shalt  }
0x44: {  	_ =	shalt  }
0x45: {  	_ =	shalt  }
0x46: {  	_ =	shalt  }
0x47: {  	_ =	shalt  }
0x48: {  	_ =	shalt  }
0x49: {  	_ =	shalt  }
0x4a: {  	_ =	shalt  }
0x4b: {  	_ =	shalt  }
0x4c: {  	_ =	shalt  }
0x4d: {  	_ =	shalt  }
0x4e: {  	_ =	shalt  }
0x4f: {  	_ =	shalt  }
0x50: {  	_ =	shalt  }
0x51: {  	_ =	shalt  }
0x52: {  	_ =	shalt  }
0x53: {  	_ =	shalt  }
0x54: {  	_ =	shalt  }
0x55: {  	_ =	shalt  }
0x56: {  	_ =	shalt  }
0x57: {  	_ =	shalt  }
0x58: {  	_ =	shalt  }
0x59: {  	_ =	shalt  }
0x5a: {  	_ =	shalt  }
0x5b: {  	_ =	shalt  }
0x5c: {  	_ =	shalt  }
0x5d: {  	_ =	shalt  }
0x5e: {  	_ =	shalt  }
0x5f: {  	_ =	shalt  }
0x60: {  	_ =	shalt  }
0x61: {  	_ =	shalt  }
0x62: {  	_ =	shalt  }
0x63: {  	_ =	shalt  }
0x64: {  	_ =	shalt  }
0x65: {  	_ =	shalt  }
0x66: {  	_ =	shalt  }
0x67: {  	_ =	shalt  }
0x68: {  	_ =	shalt  }
0x69: {  	_ =	shalt  }
0x6a: {  	_ =	shalt  }
0x6b: {  	_ =	shalt  }
0x6c: {  	_ =	shalt  }
0x6d: {  	_ =	shalt  }
0x6e: {  	_ =	shalt  }
0x6f: {  	_ =	shalt  }
0x70: {  	_ =	shalt  }
0x71: {  	_ =	shalt  }
0x72: {  	_ =	shalt  }
0x73: {  	_ =	shalt  }
0x74: {  	_ =	shalt  }
0x75: {  	_ =	shalt  }
0x76: {  	_ =	shalt  }
0x77: {  	_ =	shalt  }
0x78: {  	_ =	shalt  }
0x79: {  	_ =	shalt  }
0x7a: {  	_ =	shalt  }
0x7b: {  	_ =	shalt  }
0x7c: {  	_ =	shalt  }
0x7d: {  	_ =	shalt  }
0x7e: {  	_ =	shalt  }
0x7f: {  	_ =	shalt  }
0x80: {  	_ =	shalt  }
0x81: {  	_ =	shalt  }
0x82: {  	_ =	shalt  }
0x83: {  	_ =	shalt  }
0x84: {  	_ =	shalt  }
0x85: {  	_ =	shalt  }
0x86: {  	_ =	shalt  }
0x87: {  	_ =	shalt  }
.Lfunc_end0:
.L_simem_size_0:
called_computation.1_lowered:
.L_overlay_start_0:
0x88: {  	s2 =	sld [smem:$0x3FD9]  }
0x89: {  	s3 =	sld [smem:$0x3FFE];
	_ =	sdelay $0x1  }
0x8a: {  	s1 =	srdreg.scid  }
0x8b: {  	s0 =	sand.u32 $0x1, s1  }
0x8c: {  	s17 =	sshll.u32 s0, $0xA;
	s2 =	sadd.s32 s3, s2  }
0x8d: {  	s2 =	sadd.s32 s2, s17  }
0x8e: {  	[smem:$0x3FBE] =	sst s2  }
0x8f: {  	_ = 	snop  }
0x90: {  	s2 =	sld [smem:$0x3FD0];
	(tm) =	ssettm $0x1  }
0x91: {  	s18 =	sld [smem:$0x3FFB];
	_ =	sdelay $0x3  }
0x92: {  	_ =	strace s18  }
0x93: {  	s3 =	sld [smem:$0x3FFC];
	_ =	sdelay $0x3  }
0x94: {  	_ =	strace s3  }
0x95: {  	s3 =	sld [smem:$0x3FFD];
	_ =	sdelay $0x3  }
0x96: {  	_ =	strace s3  }
0x97: {  	_ =	strace $0x8FFFFFFF  }
0x98: {  	s19 =	sld [smem:$0x3FDB];
	_ =	sdelay $0x1  }
0x99: {  	s4 =	simm.s32 $_scs_section_size  }
0x9a: {  	s5 =	simm.s32 $_size__tile_overlayer_lowered;
	s6 =	simm.s32 $_tile_overlayer_lowered  }
0x9b: {  	s22 =	simm.s32 $0x1BFF;
	s21 =	sshll.u32 s6, $0x1;
	s3 =	sadd.s32 s4, s19  }
0x9c: {  	s7 =	simm.s32 $0x0;
	s20 =	sshll.u32 s5, $0x1;
	s5 =	sadd.s32 s21, s3  }
0x9d: {  	[timem:s7], [sflag:s22] =	dma.local [hbm:s5], s20  }
0x9e: {  	_ =	swait.ge [sflag:s22], s20  }
0x9f: {  	s4 =	ssub.s32 $0x0, s20;
	[sflag:s22] =	ssyncset.done $0x0  }
0xa0: {  	[sflag:s22] =	ssyncadd.s32 s4;
	_ =	sdelay $0x1  }
0xa1: {  	s23 =	simm.s32 $0x1B8B  }
0xa2: {  	_ =	swait.ge [sflag:s23], $0x1  }
0xa3: {  	[sflag:s23] =	ssyncset.done $0x0  }
0xa4: {  	s25 =	simm.s32 $0x1B8E;
	s24 =	sld [smem:$0x3FFE];
	[sflag:s23] =	ssyncadd.s32 $0xFFFFFFFF  }
0xa5: {  	s26 =	simm.s32 $execute0_lowered;
	[smem:$0x3FD2] =	sst s25  }
0xa6: {  	s5 =	sshll.u32 s26, $0x1;
	_ =	strace $0x80000049;
	[dreg:$0x1] =	wrdreg $0xFFFFFFFF  }
0xa7: {  	s28 =	simm.s32 $_size_execute0_lowered;
	s3 =	sadd.s32 s3, s5;
	[dreg:$0x0] =	wrdreg $0x0  }
0xa8: {  	s5 =	sshll.u32 s28, $0x1;
	[dreg:$0x2] =	wrdreg s3  }
0xa9: {  	[dreg:$0x3] =	wrdreg s5  }
0xaa: {  	[dreg:$0x4] =	wrdreg $0xC0  }
0xab: {  	_ =	task [dreg:s7], $0x5FFFF  }
0xac: {  	[dreg:$0x1] =	wrdreg $0xFFFFFFFF  }
0xad: {  	[dreg:$0x0] =	wrdreg $0x60  }
0xae: {  	[dreg:$0x2] =	wrdreg s24  }
0xaf: {  	[dreg:$0x3] =	wrdreg s2  }
0xb0: {  	[dreg:$0x4] =	wrdreg $0x9  }
0xb1: {  	_ =	task.clear_ibuf [dreg:s7], $0x5FFFF;
	_ =	strace $0x90000049  }
0xb2: {  	s29 =	simm.s32 $0x9;
	_ =	strace $0x8000004B  }
0xb3: {  	_ =	swait.ge [sflag:s29], $0x1  }
0xb4: {  	[sflag:s29] =	ssyncadd.s32 $0xFFFFFFFF  }
0xb5: {  	_ =	strace $0x9000004B  }
0xb6: {  	_ =	sfence  }
0xb7: {  	s30 =	sld [smem:$0x0];
	_ =	sdelay $0x2  }
0xb8: {  	s31 =	sshll.u32 s1, $0xD;
	s1 =	sshrl.u32 s1, $0x2  }
0xb9: {  	s3 =	sand.u32 $0x4000, s31;
	s1 =	sadd.s32 s1, s30  }
0xba: {  	s0 =	sor.u32 s3, s0;
	s1 =	sshll.u32 s1, $0x11  }
0xbb: {  	s0 =	sor.u32 s1, s0  }
0xbc: {  	s0 =	sadd.s32 $0x8F2B, s0  }
0xbd: {  	[sflag:s0] =	ssyncadd.remote.s32 $0x1  }
0xbe: {  	_ =	sfence.sel $0xFFFF  }
0xbf: {  	[dreg:$0x0] =	wrdreg $0xFFFFFFFF;
	(pc) =	sbr.abs _section_cstart, $3  }
0xc0: {  	[dreg:$0x1] =	wrdreg $0xFFFFFFFF  }
0xc1: {  	_ =	task.clear_ibuf [dreg:s7], $0x2FFFF;
	_ =	strace $0x9FFFFFFF  }
0xc2: {  	(tm) =	ssettm $0x7FFFFFFF  }
0xc3: {  	_ =	shalt  }
tec
execute0_lowered:
.L_overlay_start_1:
0x0: {  	(tag) =	ssettag $0x1  }
0x1: {  	s0 =	srdreg.scid  }
0x2: {  	s1 =	rddreg [dreg:$0x0];
	s2 =	stileid.u32  }
0x3: {  	s6 =	rddreg [dreg:$0x1];
	s18 =	simm.s32 $0x1;
	s20 =	simm.s32 $0x880  }
0x4: {  	s21 =	simm.s32 $0x1080;
	s22 =	simm.s32 $0x1880;
	s23 =	simm.s32 $0x2080  }
0x5: {  	s28 =	simm.s32 $0x4080;
	s29 =	simm.s32 $0x4880;
	s30 =	simm.s32 $0x5080  }
0x6: {  	s31 =	simm.s32 $0x5880;
	s10 =	simm.s32 $0x7080;
	s11 =	simm.s32 $0x7880  }
0x7: {  	s12 =	simm.s32 $0x8080;
	s13 =	simm.s32 $0x8880;
	s14 =	simm.s32 $0x9080  }
0x8: {  	s15 =	simm.s32 $0x9880;
	s16 =	simm.s32 $0xA080;
	s17 =	simm.s32 $0xA880  }
0x9: {  	s0 =	sand.u32 $0x1, s0;
	s3 =	sshll.u32 s2, $0x8;
	s2 =	simm.s32 $0x0  }
0xa: {  	s4 =	sshll.u32 s0, $0x7;
	[smem:$0x7FF] =	sst s2;
	s0 =	ssub.s32 $0x2, s0  }
0xb: {  	s5 =	sor.u32 s4, s3;
	_ =	strace $0x8000004A;
	s24 =	sshrl.u32 s0, $0x1  }
0xc: {  	s4 =	sadd.s32 $0xC0500, s1;
	s3 =	sshrl.u32 s5, $0x3;
	s0 =	ssub.s32 s0, s24  }
0xd: {  	s25 =	sshll.u32 s5, $0x7;
	s8 =	sor.u32 $0x40, s5;
	s5 =	sadd.s32 $0xC0600, s1  }
0xe: {  	s24 =	simm.s32 $0x2880;
	s7 =	sadd.s32 s6, s3;
	s3 =	sadd.s32 $0xC0400, s1  }
0xf: {  	s9 =	sshrl.u32 s8, $0x3;
	[dreg:$0x3] =	wrdreg s7;
	s7 =	sadd.s32 s1, s25  }
0x10: {  	s8 =	sshll.u32 s8, $0x7;
	s26 =	sadd.s32 s6, s9;
	[dreg:$0x4] =	wrdreg s7  }
0x11: {  	v2 =	vlaneseq.u32;
	s6 =	sadd.s32 $0xC0700, s1;
	s1 =	sadd.s32 s1, s8;
	[dreg:$0x5] =	wrdreg s26  }
0x12: {  	vm0 =	vmmov $0xffff;
	v1 =	vshrl.u32 v2, $0x3;
	s8 =	simm.s32 $0x2;
	s25 =	simm.s32 $0x3080;
	[dreg:$0x6] =	wrdreg s1  }
0x13: {  	v0 =	vand.u32 $0x7, v2;
	v2 =	vor.u32 $0x8, v2;
	v1 =	vmul.u32 $0x8, v1;
	s7 =	smax.u32 s0, $0x1;
	s0 =	simm.s32 $0x80;
	s26 =	simm.s32 $0x3880  }
.LBB2_1:
0x14: {  	s19 =	rddreg [dreg:$0x3]  }
0x15: {  	[tilespmem:s2], [sflag:$0x2] =	stream.linear.gather [hbm4b:s19+s2], $0x40, $0x38;
	[tilespmem:$0x10080] =	vst v63  }
0x16: {  	_ =	swait.ge [sflag:s8], $0x40  }
0x17: {  	[sflag:s8] =	ssyncset.done $0x0  }
0x18: {  	[sflag:s8] =	ssyncadd.s32 $0xFFFFFFC0  }
0x19: {  	v3 =	vld [tilespmem:$0x0];
	_ =	sdelay $0x4  }
0x1a: {  	v4 =	vshll.u32 v3, $0x3  }
0x1b: {  	v3 =	vand.u32 $0x7, v3;
	v4 =	vand.u32 $0xFFFFFFC0, v4  }
0x1c: {  	v3 =	vor.u32 v3, v4  }
0x1d: {  	v4 =	vperm.xlane v3, v0;
	_ =	sdelay $0x1  }
0x1e: {  	v4 =	vadd.s32 v1, v4;
	_ =	sdelay $0x4  }
0x1f: {  	[tilespmem:s0], [sflag:$0x1] =	stream.indirect_vreg.gather [hbm4b:s3+s2], $0x80, v4, vm0, $0xb8;
	[tilespmem:$0x10080] =	vst v63  }
0x20: {  	v3 =	vperm.xlane v3, v2  }
0x21: {  	[tilespmem:s20], [sflag:$0x1] =	stream.indirect_vreg.gather [hbm4b:s4+s2], $0x80, v4, vm0, $0xb8;
	[tilespmem:$0x10080] =	vst v63  }
0x22: {  	v3 =	vadd.s32 v1, v3  }
0x23: {  	[tilespmem:s21], [sflag:$0x1] =	stream.indirect_vreg.gather [hbm4b:s5+s2], $0x80, v4, vm0, $0xb8;
	[tilespmem:$0x10080] =	vst v63  }
0x24: {  	_ = 	snop  }
0x25: {  	[tilespmem:s22], [sflag:$0x1] =	stream.indirect_vreg.gather [hbm4b:s6+s2], $0x80, v4, vm0, $0xb8;
	[tilespmem:$0x10080] =	vst v63  }
0x26: {  	_ = 	snop  }
0x27: {  	[tilespmem:s23], [sflag:$0x1] =	stream.indirect_vreg.gather [hbm4b:s3+s2], $0x80, v3, vm0, $0xb8;
	[tilespmem:$0x10080] =	vst v63  }
0x28: {  	_ = 	snop  }
0x29: {  	[tilespmem:s24], [sflag:$0x1] =	stream.indirect_vreg.gather [hbm4b:s4+s2], $0x80, v3, vm0, $0xb8;
	[tilespmem:$0x10080] =	vst v63  }
0x2a: {  	_ = 	snop  }
0x2b: {  	[tilespmem:s25], [sflag:$0x1] =	stream.indirect_vreg.gather [hbm4b:s5+s2], $0x80, v3, vm0, $0xb8;
	[tilespmem:$0x10080] =	vst v63  }
0x2c: {  	_ = 	snop  }
0x2d: {  	[tilespmem:s26], [sflag:$0x1] =	stream.indirect_vreg.gather [hbm4b:s6+s2], $0x80, v3, vm0, $0xb8;
	[tilespmem:$0x10080] =	vst v63  }
0x2e: {  	v3 =	vld [tilespmem:$0x10];
	_ =	sdelay $0x4  }
0x2f: {  	v57 =	vshll.u32 v3, $0x3  }
0x30: {  	v3 =	vand.u32 $0x7, v3;
	v4 =	vand.u32 $0xFFFFFFC0, v57  }
0x31: {  	v3 =	vor.u32 v3, v4  }
0x32: {  	v4 =	vperm.xlane v3, v0;
	_ =	sdelay $0x1  }
0x33: {  	v4 =	vadd.s32 v1, v4;
	_ =	sdelay $0x4  }
0x34: {  	[tilespmem:s28], [sflag:$0x1] =	stream.indirect_vreg.gather [hbm4b:s3+s2], $0x80, v4, vm0, $0xb8;
	[tilespmem:$0x10080] =	vst v63  }
0x35: {  	v3 =	vperm.xlane v3, v2  }
0x36: {  	[tilespmem:s29], [sflag:$0x1] =	stream.indirect_vreg.gather [hbm4b:s4+s2], $0x80, v4, vm0, $0xb8;
	[tilespmem:$0x10080] =	vst v63  }
0x37: {  	v3 =	vadd.s32 v1, v3  }
0x38: {  	[tilespmem:s30], [sflag:$0x1] =	stream.indirect_vreg.gather [hbm4b:s5+s2], $0x80, v4, vm0, $0xb8;
	[tilespmem:$0x10080] =	vst v63  }
0x39: {  	_ = 	snop  }
0x3a: {  	[tilespmem:s31], [sflag:$0x1] =	stream.indirect_vreg.gather [hbm4b:s6+s2], $0x80, v4, vm0, $0xb8;
	[tilespmem:$0x10080] =	vst v63  }
0x3b: {  	s1 =	simm.s32 $0x6080  }
0x3c: {  	[tilespmem:s1], [sflag:$0x1] =	stream.indirect_vreg.gather [hbm4b:s3+s2], $0x80, v3, vm0, $0xb8;
	[tilespmem:$0x10080] =	vst v63  }
0x3d: {  	s9 =	simm.s32 $0x6880  }
0x3e: {  	[tilespmem:s9], [sflag:$0x1] =	stream.indirect_vreg.gather [hbm4b:s4+s2], $0x80, v3, vm0, $0xb8;
	[tilespmem:$0x10080] =	vst v63  }
0x3f: {  	_ = 	snop  }
0x40: {  	[tilespmem:s10], [sflag:$0x1] =	stream.indirect_vreg.gather [hbm4b:s5+s2], $0x80, v3, vm0, $0xb8;
	[tilespmem:$0x10080] =	vst v63  }
0x41: {  	_ = 	snop  }
0x42: {  	[tilespmem:s11], [sflag:$0x1] =	stream.indirect_vreg.gather [hbm4b:s6+s2], $0x80, v3, vm0, $0xb8;
	[tilespmem:$0x10080] =	vst v63  }
0x43: {  	v3 =	vld [tilespmem:$0x20];
	_ =	sdelay $0x4  }
0x44: {  	v58 =	vshll.u32 v3, $0x3  }
0x45: {  	v3 =	vand.u32 $0x7, v3;
	v4 =	vand.u32 $0xFFFFFFC0, v58  }
0x46: {  	v3 =	vor.u32 v3, v4  }
0x47: {  	v4 =	vperm.xlane v3, v0;
	_ =	sdelay $0x1  }
0x48: {  	v4 =	vadd.s32 v1, v4;
	_ =	sdelay $0x4  }
0x49: {  	[tilespmem:s12], [sflag:$0x1] =	stream.indirect_vreg.gather [hbm4b:s3+s2], $0x80, v4, vm0, $0xb8;
	[tilespmem:$0x10080] =	vst v63  }
0x4a: {  	v3 =	vperm.xlane v3, v2  }
0x4b: {  	[tilespmem:s13], [sflag:$0x1] =	stream.indirect_vreg.gather [hbm4b:s4+s2], $0x80, v4, vm0, $0xb8;
	[tilespmem:$0x10080] =	vst v63  }
0x4c: {  	v3 =	vadd.s32 v1, v3  }
0x4d: {  	[tilespmem:s14], [sflag:$0x1] =	stream.indirect_vreg.gather [hbm4b:s5+s2], $0x80, v4, vm0, $0xb8;
	[tilespmem:$0x10080] =	vst v63  }
0x4e: {  	_ = 	snop  }
0x4f: {  	[tilespmem:s15], [sflag:$0x1] =	stream.indirect_vreg.gather [hbm4b:s6+s2], $0x80, v4, vm0, $0xb8;
	[tilespmem:$0x10080] =	vst v63  }
0x50: {  	_ = 	snop  }
0x51: {  	[tilespmem:s16], [sflag:$0x1] =	stream.indirect_vreg.gather [hbm4b:s3+s2], $0x80, v3, vm0, $0xb8;
	[tilespmem:$0x10080] =	vst v63  }
0x52: {  	_ = 	snop  }
0x53: {  	[tilespmem:s17], [sflag:$0x1] =	stream.indirect_vreg.gather [hbm4b:s4+s2], $0x80, v3, vm0, $0xb8;
	[tilespmem:$0x10080] =	vst v63  }
0x54: {  	s9 =	simm.s32 $0xB080  }
0x55: {  	[tilespmem:s9], [sflag:$0x1] =	stream.indirect_vreg.gather [hbm4b:s5+s2], $0x80, v3, vm0, $0xb8;
	[tilespmem:$0x10080] =	vst v63  }
0x56: {  	s19 =	simm.s32 $0xB880  }
0x57: {  	[tilespmem:s19], [sflag:$0x1] =	stream.indirect_vreg.gather [hbm4b:s6+s2], $0x80, v3, vm0, $0xb8;
	[tilespmem:$0x10080] =	vst v63  }
0x58: {  	v3 =	vld [tilespmem:$0x30];
	_ =	sdelay $0x4  }
0x59: {  	v59 =	vshll.u32 v3, $0x3  }
0x5a: {  	v3 =	vand.u32 $0x7, v3;
	v4 =	vand.u32 $0xFFFFFFC0, v59  }
0x5b: {  	v3 =	vor.u32 v3, v4  }
0x5c: {  	v4 =	vperm.xlane v3, v0;
	_ =	sdelay $0x1  }
0x5d: {  	v4 =	vadd.s32 v1, v4;
	_ =	sdelay $0x3  }
0x5e: {  	s19 =	simm.s32 $0xC080  }
0x5f: {  	[tilespmem:s19], [sflag:$0x1] =	stream.indirect_vreg.gather [hbm4b:s3+s2], $0x80, v4, vm0, $0xb8;
	[tilespmem:$0x10080] =	vst v63  }
0x60: {  	v3 =	vperm.xlane v3, v2;
	s19 =	simm.s32 $0xC880  }
0x61: {  	[tilespmem:s19], [sflag:$0x1] =	stream.indirect_vreg.gather [hbm4b:s4+s2], $0x80, v4, vm0, $0xb8;
	[tilespmem:$0x10080] =	vst v63  }
0x62: {  	v3 =	vadd.s32 v1, v3;
	s19 =	simm.s32 $0xD080  }
0x63: {  	[tilespmem:s19], [sflag:$0x1] =	stream.indirect_vreg.gather [hbm4b:s5+s2], $0x80, v4, vm0, $0xb8;
	[tilespmem:$0x10080] =	vst v63  }
0x64: {  	s19 =	simm.s32 $0xD880  }
0x65: {  	[tilespmem:s19], [sflag:$0x1] =	stream.indirect_vreg.gather [hbm4b:s6+s2], $0x80, v4, vm0, $0xb8;
	[tilespmem:$0x10080] =	vst v63  }
0x66: {  	s19 =	simm.s32 $0xE080  }
0x67: {  	[tilespmem:s19], [sflag:$0x1] =	stream.indirect_vreg.gather [hbm4b:s3+s2], $0x80, v3, vm0, $0xb8;
	[tilespmem:$0x10080] =	vst v63  }
0x68: {  	s19 =	simm.s32 $0xE880  }
0x69: {  	[tilespmem:s19], [sflag:$0x1] =	stream.indirect_vreg.gather [hbm4b:s4+s2], $0x80, v3, vm0, $0xb8;
	[tilespmem:$0x10080] =	vst v63  }
0x6a: {  	s19 =	simm.s32 $0xF080  }
0x6b: {  	[tilespmem:s19], [sflag:$0x1] =	stream.indirect_vreg.gather [hbm4b:s5+s2], $0x80, v3, vm0, $0xb8;
	[tilespmem:$0x10080] =	vst v63  }
0x6c: {  	s19 =	simm.s32 $0xF880  }
0x6d: {  	[tilespmem:s19], [sflag:$0x1] =	stream.indirect_vreg.gather [hbm4b:s6+s2], $0x80, v3, vm0, $0xb8;
	[tilespmem:$0x10080] =	vst v63  }
0x6e: {  	_ =	swait.ge [sflag:s18], $0x10000  }
0x6f: {  	[sflag:s18] =	ssyncset.done $0x0  }
0x70: {  	s19 =	rddreg [dreg:$0x4];
	[sflag:s18] =	ssyncadd.s32 $0xFFFF0000  }
0x71: {  	[hbm4b:s19+s2] =	stream.linear.scatter [tilespmem:s0], [sflag:$0x2], $0x10000, $0x38;
	[tilespmem:$0x10080] =	vst v63  }
0x72: {  	_ =	swait.ge [sflag:s8], $0x10000  }
0x73: {  	[sflag:s8] =	ssyncset.done $0x0  }
0x74: {  	s19 =	rddreg [dreg:$0x5];
	[sflag:s8] =	ssyncadd.s32 $0xFFFF0000  }
0x75: {  	[tilespmem:s2], [sflag:$0x2] =	stream.linear.gather [hbm4b:s19+s2], $0x40, $0x38;
	[tilespmem:$0x10080] =	vst v63  }
0x76: {  	_ =	swait.ge [sflag:s8], $0x40  }
0x77: {  	[sflag:s8] =	ssyncset.done $0x0  }
0x78: {  	[sflag:s8] =	ssyncadd.s32 $0xFFFFFFC0  }
0x79: {  	v3 =	vld [tilespmem:$0x0];
	_ =	sdelay $0x4  }
0x7a: {  	v60 =	vshll.u32 v3, $0x3  }
0x7b: {  	v3 =	vand.u32 $0x7, v3;
	v4 =	vand.u32 $0xFFFFFFC0, v60  }
0x7c: {  	v3 =	vor.u32 v3, v4  }
0x7d: {  	v4 =	vperm.xlane v3, v0;
	_ =	sdelay $0x1  }
0x7e: {  	v4 =	vadd.s32 v1, v4;
	_ =	sdelay $0x4  }
0x7f: {  	[tilespmem:s0], [sflag:$0x1] =	stream.indirect_vreg.gather [hbm4b:s3+s2], $0x80, v4, vm0, $0xb8;
	[tilespmem:$0x10080] =	vst v63  }
0x80: {  	v3 =	vperm.xlane v3, v2  }
0x81: {  	[tilespmem:s20], [sflag:$0x1] =	stream.indirect_vreg.gather [hbm4b:s4+s2], $0x80, v4, vm0, $0xb8;
	[tilespmem:$0x10080] =	vst v63  }
0x82: {  	v3 =	vadd.s32 v1, v3  }
0x83: {  	[tilespmem:s21], [sflag:$0x1] =	stream.indirect_vreg.gather [hbm4b:s5+s2], $0x80, v4, vm0, $0xb8;
	[tilespmem:$0x10080] =	vst v63  }
0x84: {  	_ = 	snop  }
0x85: {  	[tilespmem:s22], [sflag:$0x1] =	stream.indirect_vreg.gather [hbm4b:s6+s2], $0x80, v4, vm0, $0xb8;
	[tilespmem:$0x10080] =	vst v63  }
0x86: {  	_ = 	snop  }
0x87: {  	[tilespmem:s23], [sflag:$0x1] =	stream.indirect_vreg.gather [hbm4b:s3+s2], $0x80, v3, vm0, $0xb8;
	[tilespmem:$0x10080] =	vst v63  }
0x88: {  	_ = 	snop  }
0x89: {  	[tilespmem:s24], [sflag:$0x1] =	stream.indirect_vreg.gather [hbm4b:s4+s2], $0x80, v3, vm0, $0xb8;
	[tilespmem:$0x10080] =	vst v63  }
0x8a: {  	_ = 	snop  }
0x8b: {  	[tilespmem:s25], [sflag:$0x1] =	stream.indirect_vreg.gather [hbm4b:s5+s2], $0x80, v3, vm0, $0xb8;
	[tilespmem:$0x10080] =	vst v63  }
0x8c: {  	_ = 	snop  }
0x8d: {  	[tilespmem:s26], [sflag:$0x1] =	stream.indirect_vreg.gather [hbm4b:s6+s2], $0x80, v3, vm0, $0xb8;
	[tilespmem:$0x10080] =	vst v63  }
0x8e: {  	v3 =	vld [tilespmem:$0x10];
	_ =	sdelay $0x4  }
0x8f: {  	v61 =	vshll.u32 v3, $0x3  }
0x90: {  	v3 =	vand.u32 $0x7, v3;
	v4 =	vand.u32 $0xFFFFFFC0, v61  }
0x91: {  	v3 =	vor.u32 v3, v4  }
0x92: {  	v4 =	vperm.xlane v3, v0;
	_ =	sdelay $0x1  }
0x93: {  	v4 =	vadd.s32 v1, v4;
	_ =	sdelay $0x4  }
0x94: {  	[tilespmem:s28], [sflag:$0x1] =	stream.indirect_vreg.gather [hbm4b:s3+s2], $0x80, v4, vm0, $0xb8;
	[tilespmem:$0x10080] =	vst v63  }
0x95: {  	v3 =	vperm.xlane v3, v2  }
0x96: {  	[tilespmem:s29], [sflag:$0x1] =	stream.indirect_vreg.gather [hbm4b:s4+s2], $0x80, v4, vm0, $0xb8;
	[tilespmem:$0x10080] =	vst v63  }
0x97: {  	v3 =	vadd.s32 v1, v3  }
0x98: {  	[tilespmem:s30], [sflag:$0x1] =	stream.indirect_vreg.gather [hbm4b:s5+s2], $0x80, v4, vm0, $0xb8;
	[tilespmem:$0x10080] =	vst v63  }
0x99: {  	_ = 	snop  }
0x9a: {  	[tilespmem:s31], [sflag:$0x1] =	stream.indirect_vreg.gather [hbm4b:s6+s2], $0x80, v4, vm0, $0xb8;
	[tilespmem:$0x10080] =	vst v63  }
0x9b: {  	_ = 	snop  }
0x9c: {  	[tilespmem:s1], [sflag:$0x1] =	stream.indirect_vreg.gather [hbm4b:s3+s2], $0x80, v3, vm0, $0xb8;
	[tilespmem:$0x10080] =	vst v63  }
0x9d: {  	s19 =	simm.s32 $0x6880  }
0x9e: {  	[tilespmem:s19], [sflag:$0x1] =	stream.indirect_vreg.gather [hbm4b:s4+s2], $0x80, v3, vm0, $0xb8;
	[tilespmem:$0x10080] =	vst v63  }
0x9f: {  	_ = 	snop  }
0xa0: {  	[tilespmem:s10], [sflag:$0x1] =	stream.indirect_vreg.gather [hbm4b:s5+s2], $0x80, v3, vm0, $0xb8;
	[tilespmem:$0x10080] =	vst v63  }
0xa1: {  	_ = 	snop  }
0xa2: {  	[tilespmem:s11], [sflag:$0x1] =	stream.indirect_vreg.gather [hbm4b:s6+s2], $0x80, v3, vm0, $0xb8;
	[tilespmem:$0x10080] =	vst v63  }
0xa3: {  	v3 =	vld [tilespmem:$0x20];
	_ =	sdelay $0x4  }
0xa4: {  	v62 =	vshll.u32 v3, $0x3  }
0xa5: {  	v3 =	vand.u32 $0x7, v3;
	v4 =	vand.u32 $0xFFFFFFC0, v62  }
0xa6: {  	v3 =	vor.u32 v3, v4  }
0xa7: {  	v4 =	vperm.xlane v3, v0;
	_ =	sdelay $0x1  }
0xa8: {  	v4 =	vadd.s32 v1, v4;
	_ =	sdelay $0x4  }
0xa9: {  	[tilespmem:s12], [sflag:$0x1] =	stream.indirect_vreg.gather [hbm4b:s3+s2], $0x80, v4, vm0, $0xb8;
	[tilespmem:$0x10080] =	vst v63  }
0xaa: {  	v3 =	vperm.xlane v3, v2  }
0xab: {  	[tilespmem:s13], [sflag:$0x1] =	stream.indirect_vreg.gather [hbm4b:s4+s2], $0x80, v4, vm0, $0xb8;
	[tilespmem:$0x10080] =	vst v63  }
0xac: {  	v3 =	vadd.s32 v1, v3  }
0xad: {  	[tilespmem:s14], [sflag:$0x1] =	stream.indirect_vreg.gather [hbm4b:s5+s2], $0x80, v4, vm0, $0xb8;
	[tilespmem:$0x10080] =	vst v63  }
0xae: {  	_ = 	snop  }
0xaf: {  	[tilespmem:s15], [sflag:$0x1] =	stream.indirect_vreg.gather [hbm4b:s6+s2], $0x80, v4, vm0, $0xb8;
	[tilespmem:$0x10080] =	vst v63  }
0xb0: {  	_ = 	snop  }
0xb1: {  	[tilespmem:s16], [sflag:$0x1] =	stream.indirect_vreg.gather [hbm4b:s3+s2], $0x80, v3, vm0, $0xb8;
	[tilespmem:$0x10080] =	vst v63  }
0xb2: {  	_ = 	snop  }
0xb3: {  	[tilespmem:s17], [sflag:$0x1] =	stream.indirect_vreg.gather [hbm4b:s4+s2], $0x80, v3, vm0, $0xb8;
	[tilespmem:$0x10080] =	vst v63  }
0xb4: {  	_ = 	snop  }
0xb5: {  	[tilespmem:s9], [sflag:$0x1] =	stream.indirect_vreg.gather [hbm4b:s5+s2], $0x80, v3, vm0, $0xb8;
	[tilespmem:$0x10080] =	vst v63  }
0xb6: {  	s19 =	simm.s32 $0xB880  }
0xb7: {  	[tilespmem:s19], [sflag:$0x1] =	stream.indirect_vreg.gather [hbm4b:s6+s2], $0x80, v3, vm0, $0xb8;
	[tilespmem:$0x10080] =	vst v63  }
0xb8: {  	v3 =	vld [tilespmem:$0x30];
	_ =	sdelay $0x4  }
0xb9: {  	v63 =	vshll.u32 v3, $0x3  }
0xba: {  	v3 =	vand.u32 $0x7, v3;
	v4 =	vand.u32 $0xFFFFFFC0, v63  }
0xbb: {  	v3 =	vor.u32 v3, v4  }
0xbc: {  	v4 =	vperm.xlane v3, v0;
	_ =	sdelay $0x1  }
0xbd: {  	v4 =	vadd.s32 v1, v4;
	_ =	sdelay $0x3  }
0xbe: {  	s9 =	simm.s32 $0xC080  }
0xbf: {  	[tilespmem:s9], [sflag:$0x1] =	stream.indirect_vreg.gather [hbm4b:s3+s2], $0x80, v4, vm0, $0xb8;
	[tilespmem:$0x10080] =	vst v63  }
0xc0: {  	s19 =	simm.s32 $0xC880;
	v3 =	vperm.xlane v3, v2  }
0xc1: {  	[tilespmem:s19], [sflag:$0x1] =	stream.indirect_vreg.gather [hbm4b:s4+s2], $0x80, v4, vm0, $0xb8;
	[tilespmem:$0x10080] =	vst v63  }
0xc2: {  	v3 =	vadd.s32 v1, v3;
	s9 =	simm.s32 $0xD080  }
0xc3: {  	[tilespmem:s9], [sflag:$0x1] =	stream.indirect_vreg.gather [hbm4b:s5+s2], $0x80, v4, vm0, $0xb8;
	[tilespmem:$0x10080] =	vst v63  }
0xc4: {  	s19 =	simm.s32 $0xD880  }
0xc5: {  	[tilespmem:s19], [sflag:$0x1] =	stream.indirect_vreg.gather [hbm4b:s6+s2], $0x80, v4, vm0, $0xb8;
	[tilespmem:$0x10080] =	vst v63  }
0xc6: {  	s9 =	simm.s32 $0xE080  }
0xc7: {  	[tilespmem:s9], [sflag:$0x1] =	stream.indirect_vreg.gather [hbm4b:s3+s2], $0x80, v3, vm0, $0xb8;
	[tilespmem:$0x10080] =	vst v63  }
0xc8: {  	s19 =	simm.s32 $0xE880  }
0xc9: {  	[tilespmem:s19], [sflag:$0x1] =	stream.indirect_vreg.gather [hbm4b:s4+s2], $0x80, v3, vm0, $0xb8;
	[tilespmem:$0x10080] =	vst v63  }
0xca: {  	s9 =	simm.s32 $0xF080  }
0xcb: {  	[tilespmem:s9], [sflag:$0x1] =	stream.indirect_vreg.gather [hbm4b:s5+s2], $0x80, v3, vm0, $0xb8;
	[tilespmem:$0x10080] =	vst v63  }
0xcc: {  	s19 =	simm.s32 $0xF880  }
0xcd: {  	[tilespmem:s19], [sflag:$0x1] =	stream.indirect_vreg.gather [hbm4b:s6+s2], $0x80, v3, vm0, $0xb8;
	[tilespmem:$0x10080] =	vst v63  }
0xce: {  	_ =	swait.ge [sflag:s18], $0x10000  }
0xcf: {  	p0 =	sne.s32 s7, $0x1;
	[sflag:s18] =	ssyncset.done $0x0  }
.Ltmp0:
0xd0: {  	s9 =	rddreg [dreg:$0x6];
	[sflag:s18] =	ssyncadd.s32 $0xFFFF0000;
	(pc) =	sbr.rel @p0 .LBB2_1-.Ltmp0, $4  }
0xd1: {  	[hbm4b:s9+s2] =	stream.linear.scatter [tilespmem:s0], [sflag:$0x2], $0x10000, $0x38;
	[tilespmem:$0x10080] =	vst v63  }
0xd2: {  	_ =	swait.ge [sflag:s8], $0x10000  }
0xd3: {  	[sflag:s8] =	ssyncset.done $0x0  }
0xd4: {  	s7 =	sadd.s32 $0xFFFFFFFF, s7;
	[sflag:s8] =	ssyncadd.s32 $0xFFFF0000  }
0xd5: {  	_ =	sfence.sel $0x180000  }
0xd6: {  	[bflag:$0x0] =	sbarrier.arrive $0xFFFF  }
0xd7: {  	_ =	strace $0x9000004A  }
0xd8: {  	s0 =	stileid.u32;
	[bflag:$0x2] =	sbarrier.arrive $0xFFFF  }
0xd9: {  	p0 =	sne.s32 s0, $0x0;
	s0 =	rddreg [dreg:$0x2]  }
0xda: {  	s0 =	sadd.s32 @!p0 $0x100000, s0  }
0xdb: {  	[sflag:s0] =	ssyncadd.tile.s32 @!p0 $0x1;
	_ =	shalt  }
.Lfunc_end2:
_tile_overlayer_lowered:
.L_overlay_start_2:
0xdc: {  	(tag) =	ssettag $0x2  }
0xdd: {  	s0 =	rddreg [dreg:$0x0];
	s2 =	stileid.u32  }
0xde: {  	s1 =	rddreg [dreg:$0x1];
	p0 =	sne.s32 s2, $0x0  }
0xdf: {  	s3 =	rddreg [dreg:$0x2];
	[bflag:$0x3] =	sbarrier.arrive $0xFFFF;
	s2 =	simm.s32 @!p0 $0x1C02  }
0xe0: {  	[timem:s3], [sflag:s2] =	dma.local @!p0 [hbm:s0], s1  }
0xe1: {  	s0 =	simm.s32 @!p0 $0x2  }
0xe2: {  	_ =	swait.ge @!p0 [sflag:s0], s1  }
0xe3: {  	s1 =	ssub.s32 @!p0 $0x0, s1;
	[sflag:s0] =	ssyncset.done @!p0 $0x0  }
0xe4: {  	[sflag:s0] =	ssyncadd.s32 @!p0 s1  }
0xe5: {  	[bflag:$0x3] =	sbarrier.arrive $0xFFFF  }
0xe6: {  	_ =	shalt  }

// kernel: kernel.8.cloned.1.call-start
scs
__scs_entry_jumppad:
0x0: {  	(pc) =	sbr.rel $0x88, $3  }
0x1: {  	(tag) =	ssettag $0x0;
	lr =	simm.s32 $0x1  }
0x2: {  	[smem:$0x3F97] =	sst lr;
	_ =	strace $0xD0000000  }
0x3: {  	_ = 	snop  }
0x4: {  	_ = 	snop  }
0x5: {  	_ = 	snop  }
0x6: {  	_ = 	snop  }
0x7: {  	_ = 	snop  }
__scs_overlays_trampoline_lowered:
0x8: {  	[smem:$0x3FA6] =	sst s0  }
0x9: {  	[smem:$0x3FA7] =	sst s1  }
0xa: {  	[smem:$0x3FA8] =	sst s2  }
0xb: {  	[smem:$0x3FA9] =	sst s3  }
0xc: {  	[smem:$0x3FAA] =	sst s4  }
0xd: {  	[smem:$0x3FAB] =	sst s5  }
0xe: {  	[smem:$0x3FAC] =	sst s6  }
0xf: {  	[smem:$0x3FAD] =	sst s7  }
0x10: {  	[smem:$0x3FAE] =	sst s8  }
0x11: {  	[smem:$0x3FAF] =	sst s9;
	s0 =	simm.s32 @!p0 $0x0  }
0x12: {  	s1 =	sld [smem:$0x3F95];
	s0 =	simm.s32 @p0 $0x1  }
0x13: {  	[smem:$0x3FB0] =	sst s0;
	s0 =	simm.s32 @!p1 $0x0  }
0x14: {  	s2 =	sld [smem:$0x3F94];
	s0 =	simm.s32 @p1 $0x1  }
0x15: {  	[smem:$0x3FB1] =	sst s0;
	s0 =	simm.s32 @!p2 $0x0  }
0x16: {  	s3 =	sld [smem:$0x3FDB];
	s0 =	simm.s32 @p2 $0x1  }
0x17: {  	s4 =	simm.s32 $0x1BF5;
	[smem:$0x3FB3] =	sst s0  }
0x18: {  	s0 =	sld [smem:$0x3F96];
	_ =	swait.ge [sflag:s4], $0x0  }
0x19: {  	s7 =	sld [smem:$0x3F97]  }
0x1a: {  	s8 =	sadd.s32 $0xFFFFE003, lr  }
0x1b: {  	s9 =	sadd.s32 $0xFFFFFEF7, lr;
	s5 =	simm.s32 $0xFFFFFFFF;
	p2 =	slt.u32 s8, $0xFFFFF086  }
0x1c: {  	p1 =	slt.u32 s9, $0xF7A;
	s5 =	simm.s32 @!p2 $0x0  }
0x1d: {  	s5 =	simm.s32 @p1 $0x1;
	p0 =	seq.s32 s7, s2  }
0x1e: {  	s7 =	smul.u32 @!p0 $0xF7A, s2;
	p2 =	seq.s32 @!p0 s5, $0x0  }
0x1f: {  	s9 =	smul.u32 $0xF7A, s1;
	s8 =	simm.s32 @!p0 $0x1BF5;
	p2 =	por !p2, p0  }
0x20: {  	[sflag:s8] =	ssyncset.s32 @!p0 $0xFFFFF086;
	s6 =	sadd.s32 @!p0 s3, s7;
	s7 =	simm.s32 @!p0 $0x108  }
0x21: {  	s3 =	sadd.s32 s3, s9;
	s6 =	sadd.s32 @!p0 $0x88, s6;
	s7 =	simm.s32 @p2 $0x1082  }
0x22: {  	[simem:s7], [sflag:s8] =	dma.local @!p0 [hbm:s6], $0xF7A  }
0x23: {  	s9 =	sor.u32 $0xD0000000, s2;
	s6 =	simm.s32 $0x108;
	_ =	swait.ge @!p0 [sflag:s8], $0x0  }
0x24: {  	s3 =	sadd.s32 $0x88, s3;
	s6 =	simm.s32 @!p1 $0x1082;
	[sflag:s4] =	ssyncset.s32 $0xFFFFF086  }
0x25: {  	[simem:s6], [sflag:s4] =	dma.local [hbm:s3], $0xF7A  }
0x26: {  	[smem:$0x3F97] =	sst s1;
	(tag) =	ssettag s2;
	_ =	strace s9  }
0x27: {  	s1 =	sld [smem:$0x3FA7]  }
0x28: {  	s2 =	sld [smem:$0x3FA8]  }
0x29: {  	s4 =	sld [smem:$0x3FAA]  }
0x2a: {  	p0 =	seq.s32 s5, $0x0;
	s5 =	sld [smem:$0x3FAB]  }
0x2b: {  	s6 =	sld [smem:$0x3FAC]  }
0x2c: {  	s7 =	sld [smem:$0x3FAD]  }
0x2d: {  	s3 =	simm.s32 $0x108;
	s8 =	sld [smem:$0x3FAE]  }
0x2e: {  	s3 =	simm.s32 @!p0 $0x1082;
	s9 =	sld [smem:$0x3FAF]  }
0x2f: {  	lr =	sadd.s32 s0, s3;
	s0 =	sld [smem:$0x3FA6]  }
0x30: {  	s3 =	sld [smem:$0x3FA9]  }
0x31: {  	[smem:$0x3FB2] =	sst s10  }
0x32: {  	s10 =	sld [smem:$0x3FB0];
	_ =	sdelay $0x3  }
0x33: {  	p0 =	seq.s32 s10, $0x1;
	s10 =	sld [smem:$0x3FB2];
	_ =	sdelay $0x3  }
0x34: {  	[smem:$0x3FB2] =	sst s10  }
0x35: {  	s10 =	sld [smem:$0x3FB1];
	_ =	sdelay $0x3  }
0x36: {  	p1 =	seq.s32 s10, $0x1;
	s10 =	sld [smem:$0x3FB2];
	_ =	sdelay $0x3  }
0x37: {  	[smem:$0x3FB2] =	sst s10  }
0x38: {  	s10 =	sld [smem:$0x3FB3]  }
0x39: {  	_ = 	snop;
	(pc) =	sbr.ind lr, $3  }
0x3a: {  	_ = 	snop  }
0x3b: {  	_ = 	snop  }
0x3c: {  	p2 =	seq.s32 s10, $0x1;
	s10 =	sld [smem:$0x3FB2]  }
0x3d: {  	_ =	shalt  }
0x3e: {  	_ =	shalt  }
0x3f: {  	_ =	shalt  }
0x40: {  	_ =	shalt  }
0x41: {  	_ =	shalt  }
0x42: {  	_ =	shalt  }
0x43: {  	_ =	shalt  }
0x44: {  	_ =	shalt  }
0x45: {  	_ =	shalt  }
0x46: {  	_ =	shalt  }
0x47: {  	_ =	shalt  }
0x48: {  	_ =	shalt  }
0x49: {  	_ =	shalt  }
0x4a: {  	_ =	shalt  }
0x4b: {  	_ =	shalt  }
0x4c: {  	_ =	shalt  }
0x4d: {  	_ =	shalt  }
0x4e: {  	_ =	shalt  }
0x4f: {  	_ =	shalt  }
0x50: {  	_ =	shalt  }
0x51: {  	_ =	shalt  }
0x52: {  	_ =	shalt  }
0x53: {  	_ =	shalt  }
0x54: {  	_ =	shalt  }
0x55: {  	_ =	shalt  }
0x56: {  	_ =	shalt  }
0x57: {  	_ =	shalt  }
0x58: {  	_ =	shalt  }
0x59: {  	_ =	shalt  }
0x5a: {  	_ =	shalt  }
0x5b: {  	_ =	shalt  }
0x5c: {  	_ =	shalt  }
0x5d: {  	_ =	shalt  }
0x5e: {  	_ =	shalt  }
0x5f: {  	_ =	shalt  }
0x60: {  	_ =	shalt  }
0x61: {  	_ =	shalt  }
0x62: {  	_ =	shalt  }
0x63: {  	_ =	shalt  }
0x64: {  	_ =	shalt  }
0x65: {  	_ =	shalt  }
0x66: {  	_ =	shalt  }
0x67: {  	_ =	shalt  }
0x68: {  	_ =	shalt  }
0x69: {  	_ =	shalt  }
0x6a: {  	_ =	shalt  }
0x6b: {  	_ =	shalt  }
0x6c: {  	_ =	shalt  }
0x6d: {  	_ =	shalt  }
0x6e: {  	_ =	shalt  }
0x6f: {  	_ =	shalt  }
0x70: {  	_ =	shalt  }
0x71: {  	_ =	shalt  }
0x72: {  	_ =	shalt  }
0x73: {  	_ =	shalt  }
0x74: {  	_ =	shalt  }
0x75: {  	_ =	shalt  }
0x76: {  	_ =	shalt  }
0x77: {  	_ =	shalt  }
0x78: {  	_ =	shalt  }
0x79: {  	_ =	shalt  }
0x7a: {  	_ =	shalt  }
0x7b: {  	_ =	shalt  }
0x7c: {  	_ =	shalt  }
0x7d: {  	_ =	shalt  }
0x7e: {  	_ =	shalt  }
0x7f: {  	_ =	shalt  }
0x80: {  	_ =	shalt  }
0x81: {  	_ =	shalt  }
0x82: {  	_ =	shalt  }
0x83: {  	_ =	shalt  }
0x84: {  	_ =	shalt  }
0x85: {  	_ =	shalt  }
0x86: {  	_ =	shalt  }
0x87: {  	_ =	shalt  }
.Lfunc_end0:
.L_simem_size_0:
called_computation_lowered:
.L_overlay_start_0:
0x88: {  	s2 =	sld [smem:$0x3FD9]  }
0x89: {  	s3 =	sld [smem:$0x3FFE];
	_ =	sdelay $0x1  }
0x8a: {  	s1 =	srdreg.scid  }
0x8b: {  	s0 =	sand.u32 $0x1, s1  }
0x8c: {  	s17 =	sshll.u32 s0, $0xA;
	s2 =	sadd.s32 s3, s2  }
0x8d: {  	s2 =	sadd.s32 s2, s17  }
0x8e: {  	[smem:$0x3FBE] =	sst s2  }
0x8f: {  	_ = 	snop  }
0x90: {  	s2 =	sld [smem:$0x3FC9];
	(tm) =	ssettm $0x1  }
0x91: {  	s18 =	sld [smem:$0x3FFB];
	_ =	sdelay $0x3  }
0x92: {  	_ =	strace s18  }
0x93: {  	s3 =	sld [smem:$0x3FFC];
	_ =	sdelay $0x3  }
0x94: {  	_ =	strace s3  }
0x95: {  	s3 =	sld [smem:$0x3FFD];
	_ =	sdelay $0x3  }
0x96: {  	_ =	strace s3  }
0x97: {  	_ =	strace $0x8FFFFFFF  }
0x98: {  	s19 =	sld [smem:$0x3FDB];
	_ =	sdelay $0x1  }
0x99: {  	s4 =	simm.s32 $_scs_section_size  }
0x9a: {  	s5 =	simm.s32 $_size__tile_overlayer_lowered;
	s6 =	simm.s32 $_tile_overlayer_lowered  }
0x9b: {  	s22 =	simm.s32 $0x1BFF;
	s21 =	sshll.u32 s6, $0x1;
	s3 =	sadd.s32 s4, s19  }
0x9c: {  	s7 =	simm.s32 $0x0;
	s20 =	sshll.u32 s5, $0x1;
	s5 =	sadd.s32 s21, s3  }
0x9d: {  	[timem:s7], [sflag:s22] =	dma.local [hbm:s5], s20  }
0x9e: {  	_ =	swait.ge [sflag:s22], s20  }
0x9f: {  	s4 =	ssub.s32 $0x0, s20;
	[sflag:s22] =	ssyncset.done $0x0  }
0xa0: {  	[sflag:s22] =	ssyncadd.s32 s4;
	_ =	sdelay $0x1  }
0xa1: {  	s23 =	simm.s32 $0x1B8B  }
0xa2: {  	_ =	swait.ge [sflag:s23], $0x1  }
0xa3: {  	[sflag:s23] =	ssyncset.done $0x0  }
0xa4: {  	s25 =	simm.s32 $0x1B8E;
	s24 =	sld [smem:$0x3FFE];
	[sflag:s23] =	ssyncadd.s32 $0xFFFFFFFF  }
0xa5: {  	s26 =	simm.s32 $execute0_lowered;
	[smem:$0x3FD2] =	sst s25  }
0xa6: {  	s5 =	sshll.u32 s26, $0x1;
	_ =	strace $0x80000046;
	[dreg:$0x1] =	wrdreg $0xFFFFFFFF  }
0xa7: {  	s28 =	simm.s32 $_size_execute0_lowered;
	s3 =	sadd.s32 s3, s5;
	[dreg:$0x0] =	wrdreg $0x0  }
0xa8: {  	s5 =	sshll.u32 s28, $0x1;
	[dreg:$0x2] =	wrdreg s3  }
0xa9: {  	[dreg:$0x3] =	wrdreg s5  }
0xaa: {  	[dreg:$0x4] =	wrdreg $0xC0  }
0xab: {  	_ =	task [dreg:s7], $0x5FFFF  }
0xac: {  	[dreg:$0x1] =	wrdreg $0xFFFFFFFF  }
0xad: {  	[dreg:$0x0] =	wrdreg $0x60  }
0xae: {  	[dreg:$0x2] =	wrdreg s2  }
0xaf: {  	[dreg:$0x3] =	wrdreg s24  }
0xb0: {  	[dreg:$0x4] =	wrdreg $0x9  }
0xb1: {  	_ =	task.clear_ibuf [dreg:s7], $0x5FFFF;
	_ =	strace $0x90000046  }
0xb2: {  	s29 =	simm.s32 $0x9;
	_ =	strace $0x80000048  }
0xb3: {  	_ =	swait.ge [sflag:s29], $0x1  }
0xb4: {  	[sflag:s29] =	ssyncadd.s32 $0xFFFFFFFF  }
0xb5: {  	_ =	strace $0x90000048  }
0xb6: {  	_ =	sfence  }
0xb7: {  	s30 =	sld [smem:$0x0];
	_ =	sdelay $0x2  }
0xb8: {  	s31 =	sshll.u32 s1, $0xD;
	s1 =	sshrl.u32 s1, $0x2  }
0xb9: {  	s3 =	sand.u32 $0x4000, s31;
	s1 =	sadd.s32 s1, s30  }
0xba: {  	s0 =	sor.u32 s3, s0;
	s1 =	sshll.u32 s1, $0x11  }
0xbb: {  	s0 =	sor.u32 s1, s0  }
0xbc: {  	s0 =	sadd.s32 $0x8F2B, s0  }
0xbd: {  	[sflag:s0] =	ssyncadd.remote.s32 $0x1  }
0xbe: {  	_ =	sfence.sel $0xFFFF  }
0xbf: {  	[dreg:$0x0] =	wrdreg $0xFFFFFFFF;
	(pc) =	sbr.abs _section_cstart, $3  }
0xc0: {  	[dreg:$0x1] =	wrdreg $0xFFFFFFFF  }
0xc1: {  	_ =	task.clear_ibuf [dreg:s7], $0x2FFFF;
	_ =	strace $0x9FFFFFFF  }
0xc2: {  	(tm) =	ssettm $0x7FFFFFFF  }
0xc3: {  	_ =	shalt  }
tec
execute0_lowered:
.L_overlay_start_1:
0x0: {  	(tag) =	ssettag $0x1  }
0x1: {  	s0 =	srdreg.scid;
	s1 =	rddreg [dreg:$0x0]  }
0x2: {  	s2 =	stileid.u32;
	s4 =	rddreg [dreg:$0x1]  }
0x3: {  	s26 =	simm.s32 $0x80;
	s9 =	simm.s32 $0x2;
	s19 =	simm.s32 $0x1  }
0x4: {  	s22 =	simm.s32 $0x1900;
	s23 =	simm.s32 $0x2100;
	s24 =	simm.s32 $0x2900  }
0x5: {  	s25 =	simm.s32 $0x3100;
	s28 =	simm.s32 $0x4100;
	s29 =	simm.s32 $0x4900  }
0x6: {  	s30 =	simm.s32 $0x5100;
	s31 =	simm.s32 $0x5900;
	s11 =	simm.s32 $0x7900  }
0x7: {  	s12 =	simm.s32 $0x8100;
	s13 =	simm.s32 $0x8900;
	s14 =	simm.s32 $0x9100  }
0x8: {  	s15 =	simm.s32 $0x9900;
	s16 =	simm.s32 $0xA100;
	s17 =	simm.s32 $0xA900  }
0x9: {  	s18 =	simm.s32 $0xB100;
	s10 =	simm.s32 $0xB900;
	s0 =	sand.u32 $0x1, s0  }
0xa: {  	s3 =	sshll.u32 s2, $0x7;
	s2 =	simm.s32 $0x0;
	s5 =	sshll.u32 s0, $0x6  }
0xb: {  	[smem:$0x7FF] =	sst s2;
	s0 =	ssub.s32 $0x2, s0;
	s5 =	sor.u32 s5, s3  }
0xc: {  	_ =	strace $0x80000047;
	s3 =	sadd.s32 $0x400, s4;
	s7 =	sshrl.u32 s0, $0x1  }
0xd: {  	[dreg:$0x5] =	wrdreg s26;
	s26 =	simm.s32 $0x3900;
	s6 =	sshrl.u32 s5, $0x3  }
0xe: {  	s5 =	sshll.u32 s5, $0x7;
	s0 =	ssub.s32 s0, s7;
	s6 =	sadd.s32 s4, s6  }
0xf: {  	v2 =	vlaneseq.u32;
	s7 =	sadd.s32 $0x700, s4;
	s1 =	sadd.s32 s1, s5;
	[dreg:$0x6] =	wrdreg s6  }
0x10: {  	vm0 =	vmmov $0xffff;
	v1 =	vshrl.u32 v2, $0x3;
	s5 =	sadd.s32 $0x500, s4;
	s6 =	sadd.s32 $0x200, s6;
	[dreg:$0x4] =	wrdreg s1  }
0x11: {  	v0 =	vand.u32 $0x7, v2;
	v2 =	vor.u32 $0x8, v2;
	v1 =	vmul.u32 $0x8, v1;
	s8 =	smax.u32 s0, $0x1;
	[dreg:$0x3] =	wrdreg s6;
	s6 =	sadd.s32 $0x600, s4  }
.LBB2_1:
0x12: {  	s20 =	rddreg [dreg:$0x3]  }
0x13: {  	[tilespmem:s2], [sflag:$0x2] =	stream.linear.gather [hbm4b:s20+s2], $0x40, $0x38;
	[tilespmem:$0x10100] =	vst v63  }
0x14: {  	_ =	swait.ge [sflag:s9], $0x40  }
0x15: {  	s1 =	rddreg [dreg:$0x5];
	[sflag:s9] =	ssyncset.done $0x0  }
0x16: {  	s21 =	rddreg [dreg:$0x6];
	[sflag:s9] =	ssyncadd.s32 $0xFFFFFFC0  }
0x17: {  	[tilespmem:s1], [sflag:$0x2] =	stream.linear.gather [hbm4b:s21+s2], $0x40, $0x38;
	[tilespmem:$0x10100] =	vst v63  }
0x18: {  	_ =	swait.ge [sflag:s9], $0x40  }
0x19: {  	[sflag:s9] =	ssyncset.done $0x0  }
0x1a: {  	s0 =	simm.s32 $0x100;
	s4 =	rddreg [dreg:$0x4];
	[sflag:s9] =	ssyncadd.s32 $0xFFFFFFC0  }
0x1b: {  	[tilespmem:s0], [sflag:$0x2] =	stream.linear.gather [hbm4b:s4+s2], $0x10000, $0x38;
	[tilespmem:$0x10100] =	vst v63  }
0x1c: {  	_ =	swait.ge [sflag:s9], $0x10000  }
0x1d: {  	[sflag:s9] =	ssyncset.done $0x0  }
0x1e: {  	[sflag:s9] =	ssyncadd.s32 $0xFFFF0000  }
0x1f: {  	v3 =	vld [tilespmem:$0x0];
	_ =	sdelay $0x4  }
0x20: {  	v4 =	vshll.u32 v3, $0x3  }
0x21: {  	v3 =	vand.u32 $0x7, v3;
	v4 =	vand.u32 $0xFFFFFFC0, v4  }
0x22: {  	v3 =	vor.u32 v3, v4  }
0x23: {  	v4 =	vperm.xlane v3, v0;
	_ =	sdelay $0x1  }
0x24: {  	v4 =	vadd.s32 v1, v4;
	_ =	sdelay $0x4  }
0x25: {  	[hbm4b:s3+s2] =	stream.indirect_vreg.scatter [tilespmem:s0], [sflag:$0x1], $0x80, v4, vm0, $0xb8;
	[tilespmem:$0x10100] =	vst v63  }
0x26: {  	s20 =	simm.s32 $0x900;
	v3 =	vperm.xlane v3, v2  }
0x27: {  	[hbm4b:s5+s2] =	stream.indirect_vreg.scatter [tilespmem:s20], [sflag:$0x1], $0x80, v4, vm0, $0xb8;
	[tilespmem:$0x10100] =	vst v63  }
0x28: {  	s21 =	simm.s32 $0x1100;
	v3 =	vadd.s32 v1, v3  }
0x29: {  	[hbm4b:s6+s2] =	stream.indirect_vreg.scatter [tilespmem:s21], [sflag:$0x1], $0x80, v4, vm0, $0xb8;
	[tilespmem:$0x10100] =	vst v63  }
0x2a: {  	_ = 	snop  }
0x2b: {  	[hbm4b:s7+s2] =	stream.indirect_vreg.scatter [tilespmem:s22], [sflag:$0x1], $0x80, v4, vm0, $0xb8;
	[tilespmem:$0x10100] =	vst v63  }
0x2c: {  	_ = 	snop  }
0x2d: {  	[hbm4b:s3+s2] =	stream.indirect_vreg.scatter [tilespmem:s23], [sflag:$0x1], $0x80, v3, vm0, $0xb8;
	[tilespmem:$0x10100] =	vst v63  }
0x2e: {  	_ = 	snop  }
0x2f: {  	[hbm4b:s5+s2] =	stream.indirect_vreg.scatter [tilespmem:s24], [sflag:$0x1], $0x80, v3, vm0, $0xb8;
	[tilespmem:$0x10100] =	vst v63  }
0x30: {  	_ = 	snop  }
0x31: {  	[hbm4b:s6+s2] =	stream.indirect_vreg.scatter [tilespmem:s25], [sflag:$0x1], $0x80, v3, vm0, $0xb8;
	[tilespmem:$0x10100] =	vst v63  }
0x32: {  	_ = 	snop  }
0x33: {  	[hbm4b:s7+s2] =	stream.indirect_vreg.scatter [tilespmem:s26], [sflag:$0x1], $0x80, v3, vm0, $0xb8;
	[tilespmem:$0x10100] =	vst v63  }
0x34: {  	v3 =	vld [tilespmem:$0x10];
	_ =	sdelay $0x4  }
0x35: {  	v57 =	vshll.u32 v3, $0x3  }
0x36: {  	v3 =	vand.u32 $0x7, v3;
	v4 =	vand.u32 $0xFFFFFFC0, v57  }
0x37: {  	v3 =	vor.u32 v3, v4  }
0x38: {  	v4 =	vperm.xlane v3, v0;
	_ =	sdelay $0x1  }
0x39: {  	v4 =	vadd.s32 v1, v4;
	_ =	sdelay $0x4  }
0x3a: {  	[hbm4b:s3+s2] =	stream.indirect_vreg.scatter [tilespmem:s28], [sflag:$0x1], $0x80, v4, vm0, $0xb8;
	[tilespmem:$0x10100] =	vst v63  }
0x3b: {  	v3 =	vperm.xlane v3, v2  }
0x3c: {  	[hbm4b:s5+s2] =	stream.indirect_vreg.scatter [tilespmem:s29], [sflag:$0x1], $0x80, v4, vm0, $0xb8;
	[tilespmem:$0x10100] =	vst v63  }
0x3d: {  	v3 =	vadd.s32 v1, v3  }
0x3e: {  	[hbm4b:s6+s2] =	stream.indirect_vreg.scatter [tilespmem:s30], [sflag:$0x1], $0x80, v4, vm0, $0xb8;
	[tilespmem:$0x10100] =	vst v63  }
0x3f: {  	_ = 	snop  }
0x40: {  	[hbm4b:s7+s2] =	stream.indirect_vreg.scatter [tilespmem:s31], [sflag:$0x1], $0x80, v4, vm0, $0xb8;
	[tilespmem:$0x10100] =	vst v63  }
0x41: {  	s1 =	simm.s32 $0x6100  }
0x42: {  	[hbm4b:s3+s2] =	stream.indirect_vreg.scatter [tilespmem:s1], [sflag:$0x1], $0x80, v3, vm0, $0xb8;
	[tilespmem:$0x10100] =	vst v63  }
0x43: {  	s4 =	simm.s32 $0x6900  }
0x44: {  	[hbm4b:s5+s2] =	stream.indirect_vreg.scatter [tilespmem:s4], [sflag:$0x1], $0x80, v3, vm0, $0xb8;
	[tilespmem:$0x10100] =	vst v63  }
0x45: {  	s4 =	simm.s32 $0x7100  }
0x46: {  	[hbm4b:s6+s2] =	stream.indirect_vreg.scatter [tilespmem:s4], [sflag:$0x1], $0x80, v3, vm0, $0xb8;
	[tilespmem:$0x10100] =	vst v63  }
0x47: {  	_ = 	snop  }
0x48: {  	[hbm4b:s7+s2] =	stream.indirect_vreg.scatter [tilespmem:s11], [sflag:$0x1], $0x80, v3, vm0, $0xb8;
	[tilespmem:$0x10100] =	vst v63  }
0x49: {  	v3 =	vld [tilespmem:$0x20];
	_ =	sdelay $0x4  }
0x4a: {  	v58 =	vshll.u32 v3, $0x3  }
0x4b: {  	v3 =	vand.u32 $0x7, v3;
	v4 =	vand.u32 $0xFFFFFFC0, v58  }
0x4c: {  	v3 =	vor.u32 v3, v4  }
0x4d: {  	v4 =	vperm.xlane v3, v0;
	_ =	sdelay $0x1  }
0x4e: {  	v4 =	vadd.s32 v1, v4;
	_ =	sdelay $0x4  }
0x4f: {  	[hbm4b:s3+s2] =	stream.indirect_vreg.scatter [tilespmem:s12], [sflag:$0x1], $0x80, v4, vm0, $0xb8;
	[tilespmem:$0x10100] =	vst v63  }
0x50: {  	v3 =	vperm.xlane v3, v2  }
0x51: {  	[hbm4b:s5+s2] =	stream.indirect_vreg.scatter [tilespmem:s13], [sflag:$0x1], $0x80, v4, vm0, $0xb8;
	[tilespmem:$0x10100] =	vst v63  }
0x52: {  	v3 =	vadd.s32 v1, v3  }
0x53: {  	[hbm4b:s6+s2] =	stream.indirect_vreg.scatter [tilespmem:s14], [sflag:$0x1], $0x80, v4, vm0, $0xb8;
	[tilespmem:$0x10100] =	vst v63  }
0x54: {  	_ = 	snop  }
0x55: {  	[hbm4b:s7+s2] =	stream.indirect_vreg.scatter [tilespmem:s15], [sflag:$0x1], $0x80, v4, vm0, $0xb8;
	[tilespmem:$0x10100] =	vst v63  }
0x56: {  	_ = 	snop  }
0x57: {  	[hbm4b:s3+s2] =	stream.indirect_vreg.scatter [tilespmem:s16], [sflag:$0x1], $0x80, v3, vm0, $0xb8;
	[tilespmem:$0x10100] =	vst v63  }
0x58: {  	_ = 	snop  }
0x59: {  	[hbm4b:s5+s2] =	stream.indirect_vreg.scatter [tilespmem:s17], [sflag:$0x1], $0x80, v3, vm0, $0xb8;
	[tilespmem:$0x10100] =	vst v63  }
0x5a: {  	_ = 	snop  }
0x5b: {  	[hbm4b:s6+s2] =	stream.indirect_vreg.scatter [tilespmem:s18], [sflag:$0x1], $0x80, v3, vm0, $0xb8;
	[tilespmem:$0x10100] =	vst v63  }
0x5c: {  	_ = 	snop  }
0x5d: {  	[hbm4b:s7+s2] =	stream.indirect_vreg.scatter [tilespmem:s10], [sflag:$0x1], $0x80, v3, vm0, $0xb8;
	[tilespmem:$0x10100] =	vst v63  }
0x5e: {  	v3 =	vld [tilespmem:$0x30];
	_ =	sdelay $0x4  }
0x5f: {  	v59 =	vshll.u32 v3, $0x3  }
0x60: {  	v3 =	vand.u32 $0x7, v3;
	v4 =	vand.u32 $0xFFFFFFC0, v59  }
0x61: {  	v3 =	vor.u32 v3, v4  }
0x62: {  	v4 =	vperm.xlane v3, v0;
	_ =	sdelay $0x1  }
0x63: {  	v4 =	vadd.s32 v1, v4;
	_ =	sdelay $0x3  }
0x64: {  	s1 =	simm.s32 $0xC100  }
0x65: {  	[hbm4b:s3+s2] =	stream.indirect_vreg.scatter [tilespmem:s1], [sflag:$0x1], $0x80, v4, vm0, $0xb8;
	[tilespmem:$0x10100] =	vst v63  }
0x66: {  	v3 =	vperm.xlane v3, v2;
	s1 =	simm.s32 $0xC900  }
0x67: {  	[hbm4b:s5+s2] =	stream.indirect_vreg.scatter [tilespmem:s1], [sflag:$0x1], $0x80, v4, vm0, $0xb8;
	[tilespmem:$0x10100] =	vst v63  }
0x68: {  	v3 =	vadd.s32 v1, v3;
	s1 =	simm.s32 $0xD100  }
0x69: {  	[hbm4b:s6+s2] =	stream.indirect_vreg.scatter [tilespmem:s1], [sflag:$0x1], $0x80, v4, vm0, $0xb8;
	[tilespmem:$0x10100] =	vst v63  }
0x6a: {  	s1 =	simm.s32 $0xD900  }
0x6b: {  	[hbm4b:s7+s2] =	stream.indirect_vreg.scatter [tilespmem:s1], [sflag:$0x1], $0x80, v4, vm0, $0xb8;
	[tilespmem:$0x10100] =	vst v63  }
0x6c: {  	s1 =	simm.s32 $0xE100  }
0x6d: {  	[hbm4b:s3+s2] =	stream.indirect_vreg.scatter [tilespmem:s1], [sflag:$0x1], $0x80, v3, vm0, $0xb8;
	[tilespmem:$0x10100] =	vst v63  }
0x6e: {  	s1 =	simm.s32 $0xE900  }
0x6f: {  	[hbm4b:s5+s2] =	stream.indirect_vreg.scatter [tilespmem:s1], [sflag:$0x1], $0x80, v3, vm0, $0xb8;
	[tilespmem:$0x10100] =	vst v63  }
0x70: {  	s1 =	simm.s32 $0xF100  }
0x71: {  	[hbm4b:s6+s2] =	stream.indirect_vreg.scatter [tilespmem:s1], [sflag:$0x1], $0x80, v3, vm0, $0xb8;
	[tilespmem:$0x10100] =	vst v63  }
0x72: {  	s1 =	simm.s32 $0xF900  }
0x73: {  	[hbm4b:s7+s2] =	stream.indirect_vreg.scatter [tilespmem:s1], [sflag:$0x1], $0x80, v3, vm0, $0xb8;
	[tilespmem:$0x10100] =	vst v63  }
0x74: {  	v3 =	vld [tilespmem:$0x80];
	_ =	sdelay $0x4  }
0x75: {  	v60 =	vshll.u32 v3, $0x3  }
0x76: {  	v3 =	vand.u32 $0x7, v3;
	v4 =	vand.u32 $0xFFFFFFC0, v60  }
0x77: {  	v3 =	vor.u32 v3, v4  }
0x78: {  	v4 =	vperm.xlane v3, v0;
	_ =	sdelay $0x1  }
0x79: {  	v4 =	vadd.s32 v1, v4;
	_ =	sdelay $0x4  }
0x7a: {  	[hbm4b:s3+s2] =	stream.indirect_vreg.scatter [tilespmem:s0], [sflag:$0x1], $0x80, v4, vm0, $0xb8;
	[tilespmem:$0x10100] =	vst v63  }
0x7b: {  	v3 =	vperm.xlane v3, v2  }
0x7c: {  	[hbm4b:s5+s2] =	stream.indirect_vreg.scatter [tilespmem:s20], [sflag:$0x1], $0x80, v4, vm0, $0xb8;
	[tilespmem:$0x10100] =	vst v63  }
0x7d: {  	v3 =	vadd.s32 v1, v3  }
0x7e: {  	[hbm4b:s6+s2] =	stream.indirect_vreg.scatter [tilespmem:s21], [sflag:$0x1], $0x80, v4, vm0, $0xb8;
	[tilespmem:$0x10100] =	vst v63  }
0x7f: {  	_ = 	snop  }
0x80: {  	[hbm4b:s7+s2] =	stream.indirect_vreg.scatter [tilespmem:s22], [sflag:$0x1], $0x80, v4, vm0, $0xb8;
	[tilespmem:$0x10100] =	vst v63  }
0x81: {  	_ = 	snop  }
0x82: {  	[hbm4b:s3+s2] =	stream.indirect_vreg.scatter [tilespmem:s23], [sflag:$0x1], $0x80, v3, vm0, $0xb8;
	[tilespmem:$0x10100] =	vst v63  }
0x83: {  	_ = 	snop  }
0x84: {  	[hbm4b:s5+s2] =	stream.indirect_vreg.scatter [tilespmem:s24], [sflag:$0x1], $0x80, v3, vm0, $0xb8;
	[tilespmem:$0x10100] =	vst v63  }
0x85: {  	_ = 	snop  }
0x86: {  	[hbm4b:s6+s2] =	stream.indirect_vreg.scatter [tilespmem:s25], [sflag:$0x1], $0x80, v3, vm0, $0xb8;
	[tilespmem:$0x10100] =	vst v63  }
0x87: {  	_ = 	snop  }
0x88: {  	[hbm4b:s7+s2] =	stream.indirect_vreg.scatter [tilespmem:s26], [sflag:$0x1], $0x80, v3, vm0, $0xb8;
	[tilespmem:$0x10100] =	vst v63  }
0x89: {  	v3 =	vld [tilespmem:$0x90];
	_ =	sdelay $0x4  }
0x8a: {  	v61 =	vshll.u32 v3, $0x3  }
0x8b: {  	v3 =	vand.u32 $0x7, v3;
	v4 =	vand.u32 $0xFFFFFFC0, v61  }
0x8c: {  	v3 =	vor.u32 v3, v4  }
0x8d: {  	v4 =	vperm.xlane v3, v0;
	_ =	sdelay $0x1  }
0x8e: {  	v4 =	vadd.s32 v1, v4;
	_ =	sdelay $0x4  }
0x8f: {  	[hbm4b:s3+s2] =	stream.indirect_vreg.scatter [tilespmem:s28], [sflag:$0x1], $0x80, v4, vm0, $0xb8;
	[tilespmem:$0x10100] =	vst v63  }
0x90: {  	v3 =	vperm.xlane v3, v2  }
0x91: {  	[hbm4b:s5+s2] =	stream.indirect_vreg.scatter [tilespmem:s29], [sflag:$0x1], $0x80, v4, vm0, $0xb8;
	[tilespmem:$0x10100] =	vst v63  }
0x92: {  	v3 =	vadd.s32 v1, v3  }
0x93: {  	[hbm4b:s6+s2] =	stream.indirect_vreg.scatter [tilespmem:s30], [sflag:$0x1], $0x80, v4, vm0, $0xb8;
	[tilespmem:$0x10100] =	vst v63  }
0x94: {  	_ = 	snop  }
0x95: {  	[hbm4b:s7+s2] =	stream.indirect_vreg.scatter [tilespmem:s31], [sflag:$0x1], $0x80, v4, vm0, $0xb8;
	[tilespmem:$0x10100] =	vst v63  }
0x96: {  	s21 =	simm.s32 $0x6100  }
0x97: {  	[hbm4b:s3+s2] =	stream.indirect_vreg.scatter [tilespmem:s21], [sflag:$0x1], $0x80, v3, vm0, $0xb8;
	[tilespmem:$0x10100] =	vst v63  }
0x98: {  	s20 =	simm.s32 $0x6900  }
0x99: {  	[hbm4b:s5+s2] =	stream.indirect_vreg.scatter [tilespmem:s20], [sflag:$0x1], $0x80, v3, vm0, $0xb8;
	[tilespmem:$0x10100] =	vst v63  }
0x9a: {  	_ = 	snop  }
0x9b: {  	[hbm4b:s6+s2] =	stream.indirect_vreg.scatter [tilespmem:s4], [sflag:$0x1], $0x80, v3, vm0, $0xb8;
	[tilespmem:$0x10100] =	vst v63  }
0x9c: {  	_ = 	snop  }
0x9d: {  	[hbm4b:s7+s2] =	stream.indirect_vreg.scatter [tilespmem:s11], [sflag:$0x1], $0x80, v3, vm0, $0xb8;
	[tilespmem:$0x10100] =	vst v63  }
0x9e: {  	v3 =	vld [tilespmem:$0xA0];
	_ =	sdelay $0x4  }
0x9f: {  	v62 =	vshll.u32 v3, $0x3  }
0xa0: {  	v3 =	vand.u32 $0x7, v3;
	v4 =	vand.u32 $0xFFFFFFC0, v62  }
0xa1: {  	v3 =	vor.u32 v3, v4  }
0xa2: {  	v4 =	vperm.xlane v3, v0;
	_ =	sdelay $0x1  }
0xa3: {  	v4 =	vadd.s32 v1, v4;
	_ =	sdelay $0x4  }
0xa4: {  	[hbm4b:s3+s2] =	stream.indirect_vreg.scatter [tilespmem:s12], [sflag:$0x1], $0x80, v4, vm0, $0xb8;
	[tilespmem:$0x10100] =	vst v63  }
0xa5: {  	v3 =	vperm.xlane v3, v2  }
0xa6: {  	[hbm4b:s5+s2] =	stream.indirect_vreg.scatter [tilespmem:s13], [sflag:$0x1], $0x80, v4, vm0, $0xb8;
	[tilespmem:$0x10100] =	vst v63  }
0xa7: {  	v3 =	vadd.s32 v1, v3  }
0xa8: {  	[hbm4b:s6+s2] =	stream.indirect_vreg.scatter [tilespmem:s14], [sflag:$0x1], $0x80, v4, vm0, $0xb8;
	[tilespmem:$0x10100] =	vst v63  }
0xa9: {  	_ = 	snop  }
0xaa: {  	[hbm4b:s7+s2] =	stream.indirect_vreg.scatter [tilespmem:s15], [sflag:$0x1], $0x80, v4, vm0, $0xb8;
	[tilespmem:$0x10100] =	vst v63  }
0xab: {  	_ = 	snop  }
0xac: {  	[hbm4b:s3+s2] =	stream.indirect_vreg.scatter [tilespmem:s16], [sflag:$0x1], $0x80, v3, vm0, $0xb8;
	[tilespmem:$0x10100] =	vst v63  }
0xad: {  	_ = 	snop  }
0xae: {  	[hbm4b:s5+s2] =	stream.indirect_vreg.scatter [tilespmem:s17], [sflag:$0x1], $0x80, v3, vm0, $0xb8;
	[tilespmem:$0x10100] =	vst v63  }
0xaf: {  	_ = 	snop  }
0xb0: {  	[hbm4b:s6+s2] =	stream.indirect_vreg.scatter [tilespmem:s18], [sflag:$0x1], $0x80, v3, vm0, $0xb8;
	[tilespmem:$0x10100] =	vst v63  }
0xb1: {  	_ = 	snop  }
0xb2: {  	[hbm4b:s7+s2] =	stream.indirect_vreg.scatter [tilespmem:s10], [sflag:$0x1], $0x80, v3, vm0, $0xb8;
	[tilespmem:$0x10100] =	vst v63  }
0xb3: {  	v3 =	vld [tilespmem:$0xB0];
	_ =	sdelay $0x4  }
0xb4: {  	v63 =	vshll.u32 v3, $0x3  }
0xb5: {  	v3 =	vand.u32 $0x7, v3;
	v4 =	vand.u32 $0xFFFFFFC0, v63  }
0xb6: {  	v3 =	vor.u32 v3, v4  }
0xb7: {  	v4 =	vperm.xlane v3, v0;
	_ =	sdelay $0x1  }
0xb8: {  	v4 =	vadd.s32 v1, v4;
	_ =	sdelay $0x3  }
0xb9: {  	s21 =	simm.s32 $0xC100  }
0xba: {  	[hbm4b:s3+s2] =	stream.indirect_vreg.scatter [tilespmem:s21], [sflag:$0x1], $0x80, v4, vm0, $0xb8;
	[tilespmem:$0x10100] =	vst v63  }
0xbb: {  	s4 =	simm.s32 $0xC900;
	v3 =	vperm.xlane v3, v2  }
0xbc: {  	[hbm4b:s5+s2] =	stream.indirect_vreg.scatter [tilespmem:s4], [sflag:$0x1], $0x80, v4, vm0, $0xb8;
	[tilespmem:$0x10100] =	vst v63  }
0xbd: {  	s20 =	simm.s32 $0xD100;
	v3 =	vadd.s32 v1, v3  }
0xbe: {  	[hbm4b:s6+s2] =	stream.indirect_vreg.scatter [tilespmem:s20], [sflag:$0x1], $0x80, v4, vm0, $0xb8;
	[tilespmem:$0x10100] =	vst v63  }
0xbf: {  	s21 =	simm.s32 $0xD900  }
0xc0: {  	[hbm4b:s7+s2] =	stream.indirect_vreg.scatter [tilespmem:s21], [sflag:$0x1], $0x80, v4, vm0, $0xb8;
	[tilespmem:$0x10100] =	vst v63  }
0xc1: {  	s4 =	simm.s32 $0xE100  }
0xc2: {  	[hbm4b:s3+s2] =	stream.indirect_vreg.scatter [tilespmem:s4], [sflag:$0x1], $0x80, v3, vm0, $0xb8;
	[tilespmem:$0x10100] =	vst v63  }
0xc3: {  	s20 =	simm.s32 $0xE900  }
0xc4: {  	[hbm4b:s5+s2] =	stream.indirect_vreg.scatter [tilespmem:s20], [sflag:$0x1], $0x80, v3, vm0, $0xb8;
	[tilespmem:$0x10100] =	vst v63  }
0xc5: {  	s21 =	simm.s32 $0xF100  }
0xc6: {  	[hbm4b:s6+s2] =	stream.indirect_vreg.scatter [tilespmem:s21], [sflag:$0x1], $0x80, v3, vm0, $0xb8;
	[tilespmem:$0x10100] =	vst v63  }
0xc7: {  	_ = 	snop  }
0xc8: {  	[hbm4b:s7+s2] =	stream.indirect_vreg.scatter [tilespmem:s1], [sflag:$0x1], $0x80, v3, vm0, $0xb8;
	[tilespmem:$0x10100] =	vst v63  }
0xc9: {  	p0 =	sne.s32 s8, $0x1;
	_ =	swait.ge [sflag:s19], $0x10000  }
.Ltmp0:
0xca: {  	[sflag:s19] =	ssyncset.done $0x0;
	(pc) =	sbr.rel @p0 .LBB2_1-.Ltmp0, $4  }
0xcb: {  	[sflag:s19] =	ssyncadd.s32 $0xFFFF0000  }
0xcc: {  	_ =	swait.ge [sflag:s19], $0x10000  }
0xcd: {  	[sflag:s19] =	ssyncset.done $0x0  }
0xce: {  	s8 =	sadd.s32 $0xFFFFFFFF, s8;
	[sflag:s19] =	ssyncadd.s32 $0xFFFF0000  }
0xcf: {  	_ =	sfence.sel $0x180000  }
0xd0: {  	[bflag:$0x0] =	sbarrier.arrive $0xFFFF  }
0xd1: {  	_ =	strace $0x90000047  }
0xd2: {  	s0 =	stileid.u32;
	[bflag:$0x2] =	sbarrier.arrive $0xFFFF  }
0xd3: {  	p0 =	sne.s32 s0, $0x0;
	s0 =	rddreg [dreg:$0x2]  }
0xd4: {  	s0 =	sadd.s32 @!p0 $0x100000, s0  }
0xd5: {  	[sflag:s0] =	ssyncadd.tile.s32 @!p0 $0x1;
	_ =	shalt  }
.Lfunc_end2:
_tile_overlayer_lowered:
.L_overlay_start_2:
0xd6: {  	(tag) =	ssettag $0x2  }
0xd7: {  	s0 =	rddreg [dreg:$0x0];
	s2 =	stileid.u32  }
0xd8: {  	s1 =	rddreg [dreg:$0x1];
	p0 =	sne.s32 s2, $0x0  }
0xd9: {  	s3 =	rddreg [dreg:$0x2];
	[bflag:$0x3] =	sbarrier.arrive $0xFFFF;
	s2 =	simm.s32 @!p0 $0x1C02  }
0xda: {  	[timem:s3], [sflag:s2] =	dma.local @!p0 [hbm:s0], s1  }
0xdb: {  	s0 =	simm.s32 @!p0 $0x2  }
0xdc: {  	_ =	swait.ge @!p0 [sflag:s0], s1  }
0xdd: {  	s1 =	ssub.s32 @!p0 $0x0, s1;
	[sflag:s0] =	ssyncset.done @!p0 $0x0  }
0xde: {  	[sflag:s0] =	ssyncadd.s32 @!p0 s1  }
0xdf: {  	[bflag:$0x3] =	sbarrier.arrive $0xFFFF  }
0xe0: {  	_ =	shalt  }

</sc_bundles>
